<compile_context>
chip_gen: v7x
topology: tpu7x:2x2x1
jax: 0.10.2.dev20260603
libtpu: 0.0.44.dev20260713+nightly
codegen_flags: <defaults>
</compile_context>

<pallas_src>
import jax
import jax.numpy as jnp
from jax import lax
from jax.experimental import pallas as pl
from jax.experimental.pallas import tpu as pltpu
from jax.experimental.pallas import tpu_sc as plsc

N = 10000
E = 320000
D = 128

NC = 2
NS = 16
NW = NC * NS
EW = E // NW
C = 80
KCH = EW // C
NPAD = 10240
ROWS_PER_TILE = NPAD // NS
NBUF = 4
NIDX = NBUF + 1


def _sc_agg_body(x_hbm, ei_hbm, zero_hbm, out_hbm,
                 srcv, dstv, rows, gsem, ssem, sisem, disem, aggs):
    c = lax.axis_index("c")
    s = lax.axis_index("s")
    w = c * NS + s

    pltpu.sync_copy(zero_hbm,
                    aggs.at[pl.ds(s * ROWS_PER_TILE, ROWS_PER_TILE)])

    def gwait(b):
        pltpu.make_async_copy(x_hbm.at[pl.ds(0, C)], rows.at[b],
                              gsem.at[b]).wait()

    def swait(b):
        pltpu.make_async_copy(x_hbm.at[pl.ds(0, C)], rows.at[b],
                              ssem.at[b]).wait()

    def siwait(j):
        pltpu.make_async_copy(ei_hbm.at[pl.ds(0, C)], srcv.at[j],
                              sisem.at[j]).wait()

    def diwait(j):
        pltpu.make_async_copy(ei_hbm.at[pl.ds(0, C)], dstv.at[j],
                              disem.at[j]).wait()

    def iissue(k, j):
        pltpu.async_copy(ei_hbm.at[pl.ds(w * EW + k * C, C)], srcv.at[j],
                         sisem.at[j])
        pltpu.async_copy(ei_hbm.at[pl.ds(E + w * EW + k * C, C)], dstv.at[j],
                         disem.at[j])

    def gissue(k, j, b):
        pltpu.async_copy(x_hbm.at[srcv.at[j]], rows.at[b], gsem.at[b])

    plsc.subcore_barrier()

    for j in range(NBUF):
        iissue(j, j)
    for j in range(NBUF - 1):
        siwait(j)
        gissue(j, j, j)

    def chunk(k, _):
        b = lax.rem(k, NBUF)
        ib = lax.rem(k, NIDX)
        gwait(b)
        diwait(ib)
        pltpu.async_copy(rows.at[b], aggs.at[dstv.at[ib]], ssem.at[b],
                         add=True)

        @pl.when(k >= 1)
        def _():
            swait(lax.rem(k - 1, NBUF))

        nj = k + NBUF

        @pl.when(nj < KCH)
        def _():
            iissue(nj, lax.rem(nj, NIDX))

        nk = k + NBUF - 1

        @pl.when(nk < KCH)
        def _():
            nib = lax.rem(nk, NIDX)
            siwait(nib)
            gissue(nk, nib, lax.rem(nk, NBUF))
        return 0
    lax.fori_loop(0, KCH, chunk, 0)

    swait((KCH - 1) % NBUF)

    plsc.subcore_barrier()

    pltpu.sync_copy(aggs.at[pl.ds(s * ROWS_PER_TILE, ROWS_PER_TILE)],
                    out_hbm.at[c, pl.ds(s * ROWS_PER_TILE, ROWS_PER_TILE)])


_sc_agg = pl.kernel(
    _sc_agg_body,
    out_type=jax.ShapeDtypeStruct((NC, NPAD, D), jnp.float32),
    mesh=plsc.VectorSubcoreMesh(core_axis_name="c", subcore_axis_name="s"),
    scratch_types=[
        pltpu.VMEM((NIDX, C), jnp.int32),
        pltpu.VMEM((NIDX, C), jnp.int32),
        pltpu.VMEM((NBUF, C, D), jnp.float32),
        pltpu.SemaphoreType.DMA((NBUF,)),
        pltpu.SemaphoreType.DMA((NBUF,)),
        pltpu.SemaphoreType.DMA((NIDX,)),
        pltpu.SemaphoreType.DMA((NIDX,)),
        pltpu.VMEM_SHARED((NPAD, D), jnp.float32),
    ],
)


def _gru_body(aggp_ref, h_ref, wmsg, wz, wr, wh, bz, br, bh, out_ref):
    a = aggp_ref[0] + aggp_ref[1]
    hh = h_ref[...]
    m = jnp.dot(a, wmsg[...], preferred_element_type=jnp.float32)
    z = jax.nn.sigmoid(
        jnp.dot(m, wz[0:D], preferred_element_type=jnp.float32)
        + jnp.dot(hh, wz[D:2 * D], preferred_element_type=jnp.float32)
        + bz[...].reshape(1, D))
    r = jax.nn.sigmoid(
        jnp.dot(m, wr[0:D], preferred_element_type=jnp.float32)
        + jnp.dot(hh, wr[D:2 * D], preferred_element_type=jnp.float32)
        + br[...].reshape(1, D))
    cand = jnp.tanh(
        jnp.dot(m, wh[0:D], preferred_element_type=jnp.float32)
        + jnp.dot(r * hh, wh[D:2 * D], preferred_element_type=jnp.float32)
        + bh[...].reshape(1, D))
    out_ref[...] = (1.0 - z) * hh + z * cand


ROW_BLK = 2000


def _gru_tc(partials, h, W_msg, W_z, W_r, W_h, b_z, b_r, b_h):
    grid = (N // ROW_BLK,)
    full = lambda i: (0, 0)
    return pl.pallas_call(
        _gru_body,
        grid=grid,
        in_specs=[
            pl.BlockSpec((NC, ROW_BLK, D), lambda i: (0, i, 0)),
            pl.BlockSpec((ROW_BLK, D), lambda i: (i, 0)),
            pl.BlockSpec((D, D), full),
            pl.BlockSpec((2 * D, D), full),
            pl.BlockSpec((2 * D, D), full),
            pl.BlockSpec((2 * D, D), full),
            pl.BlockSpec((D,), lambda i: (0,)),
            pl.BlockSpec((D,), lambda i: (0,)),
            pl.BlockSpec((D,), lambda i: (0,)),
        ],
        out_specs=pl.BlockSpec((ROW_BLK, D), lambda i: (i, 0)),
        out_shape=jax.ShapeDtypeStruct((N, D), jnp.float32),
    )(partials, h, W_msg, W_z, W_r, W_h, b_z, b_r, b_h)


@jax.jit
def kernel(x, h, edge_index, W_msg, W_z, b_z, W_r, b_r, W_h, b_h):
    ei = edge_index.astype(jnp.int32).reshape(2 * E)
    zeros = jnp.zeros((ROWS_PER_TILE, D), jnp.float32)
    partials = _sc_agg(x, ei, zeros)
    return _gru_tc(partials, h, W_msg, W_z, W_r, W_h, b_z, b_r, b_h)

# --- scband reference (transcript-rebuilt; emitter-appended) ---
"""Pipeline reference for scband-ensemble-forecasting-module-16947940950365 (READ-ONLY COPY).

The authoritative reference and input builder live on the scoring server;
editing this copy changes nothing except your own understanding.
"""

import jax, jax.numpy as jnp
import numpy as np

N = 10000
E = 320000
D = 128

def setup_inputs(seed: int = 0) -> dict:
    key = jax.random.key(seed)
    ks = jax.random.split(key, 12)
    x = jax.random.normal(ks[0], (N, D), dtype=jnp.float32)
    h = jax.random.normal(ks[1], (N, D), dtype=jnp.float32)
    edge_index = jax.random.randint(ks[2], (2, E), 0, N, dtype=jnp.int64)
    s = 1.0 / np.sqrt(D)
    W_msg = jax.random.normal(ks[3], (D, D), dtype=jnp.float32) * s
    W_z = jax.random.normal(ks[4], (2 * D, D), dtype=jnp.float32) * s
    b_z = jnp.zeros((D,), dtype=jnp.float32)
    W_r = jax.random.normal(ks[5], (2 * D, D), dtype=jnp.float32) * s
    b_r = jnp.zeros((D,), dtype=jnp.float32)
    W_h = jax.random.normal(ks[6], (2 * D, D), dtype=jnp.float32) * s
    b_h = jnp.zeros((D,), dtype=jnp.float32)
    return {"x": x, "h": h, "edge_index": edge_index, "W_msg": W_msg, "W_z": W_z, "b_z": b_z, "W_r": W_r, "b_r": b_r, "W_h": W_h, "b_h": b_h}

def reference(x, h, edge_index, W_msg, W_z, b_z, W_r, b_r, W_h, b_h):
    # GraphGRU single timestep: message passing (gather + scatter-add) then GRU cell update
    src = edge_index[0]
    dst = edge_index[1]
    msg = jnp.take(x, src, axis=0)                      # gather [E, D]
    agg = jax.ops.segment_sum(msg, dst, num_segments=N)  # scatter-add [N, D]
    m = agg @ W_msg
    zr_in = jnp.concatenate([m, h], axis=-1)
    z = jax.nn.sigmoid(zr_in @ W_z + b_z)
    r = jax.nn.sigmoid(zr_in @ W_r + b_r)
    cand_in = jnp.concatenate([m, r * h], axis=-1)
    cand = jnp.tanh(cand_in @ W_h + b_h)
    h_new = (1.0 - z) * h + z * cand
    return h_new

if __name__ == "__main__":
    import jax
    _d = setup_inputs()
    print(jax.jit(kernel)(*tuple(_d.values())))

</pallas_src>

<mosaic_0001>
#map = affine_map<(d0, d1) -> (0, 0)>
#map1 = affine_map<(d0, d1) -> (0)>
#map2 = affine_map<(d0, d1) -> (0, 0, 0)>
module attributes {stable_mosaic.version = 14 : i64} {
  func.func @_sc_agg_body(%arg0: i32, %arg1: i32, %arg2: memref<10000x128xf32, #tpu.memory_space<hbm>>, %arg3: memref<640000xi32, #tpu.memory_space<hbm>>, %arg4: memref<640x128xf32, #tpu.memory_space<hbm>>, %arg5: memref<2x10240x128xf32, #tpu.memory_space<hbm>>, %arg6: memref<5x80xi32, #tpu.memory_space<vmem>>, %arg7: memref<5x80xi32, #tpu.memory_space<vmem>>, %arg8: memref<4x80x128xf32, #tpu.memory_space<vmem>>, %arg9: memref<4x!tpu.dma_semaphore, #tpu.memory_space<semaphore_mem>>, %arg10: memref<4x!tpu.dma_semaphore, #tpu.memory_space<semaphore_mem>>, %arg11: memref<5x!tpu.dma_semaphore, #tpu.memory_space<semaphore_mem>>, %arg12: memref<5x!tpu.dma_semaphore, #tpu.memory_space<semaphore_mem>>, %arg13: memref<10240x128xf32, #tpu.memory_space<vmem_shared>>) attributes {dimension_semantics = [#tpu.dimension_semantics<core_parallel>, #tpu.dimension_semantics<subcore_parallel>], iteration_bounds = array<i64: 2, 16>, scalar_prefetch = 0 : i64, scratch_operands = 8 : i64, tpu.core_type = #tpu.core_type<sc_vector_subcore>, window_params = [{transform_indices = #map}, {transform_indices = #map1}, {transform_indices = #map}, {transform_indices = #map2}]} {
    %mul3A = arith.constant 16 : i32
    %mul3A_0 = arith.muli %arg0, %mul3A : i32
    %add3A = arith.addi %mul3A_0, %arg1 : i32
    %mul3A_1 = arith.constant 640 : i32
    %mul3A_2 = arith.muli %arg1, %mul3A_1 : i32
    "tpu.region"() ({
      %run_scoped3A = tpu.sem_alloc : memref<!tpu.dma_semaphore, #tpu.memory_space<semaphore_mem>>
      %dma_start3A_253 = arith.constant 0 : i32
      %dma_start3A_254 = tpu.memref_slice %arg13[%mul3A_2, %dma_start3A_253] : memref<10240x128xf32, #tpu.memory_space<vmem_shared>> -> memref<640x128xf32, #tpu.memory_space<vmem_shared>>
      tpu.enqueue_dma source(%arg4 : memref<640x128xf32, #tpu.memory_space<hbm>>) target(%dma_start3A_254 : memref<640x128xf32, #tpu.memory_space<vmem_shared>>) target_semaphore(%run_scoped3A : memref<!tpu.dma_semaphore, #tpu.memory_space<semaphore_mem>>)
      %dma_wait3A_255 = arith.constant 0 : i32
      %dma_wait3A_256 = tpu.memref_slice %arg13[%mul3A_2, %dma_wait3A_255] : memref<10240x128xf32, #tpu.memory_space<vmem_shared>> -> memref<640x128xf32, #tpu.memory_space<vmem_shared>>
      tpu.wait_dma2 semaphore(%run_scoped3A : memref<!tpu.dma_semaphore, #tpu.memory_space<semaphore_mem>>) src(%arg4 : memref<640x128xf32, #tpu.memory_space<hbm>>) dst(%dma_wait3A_256 : memref<640x128xf32, #tpu.memory_space<vmem_shared>>)
      tpu.yield
    }) : () -> ()
    %barrier3A = arith.constant 0 : index
    tpu.barrier barrier_id(%barrier3A)
    %mul3A_3 = arith.constant 10000 : i32
    %mul3A_4 = arith.muli %add3A, %mul3A_3 : i32
    %add3A_5 = arith.constant 0 : i32
    %add3A_6 = arith.addi %mul3A_4, %add3A_5 : i32
    %dma_start3A = arith.constant 0 : i32
    %dma_start3A_7 = arith.constant 0 : i32
    %dma_start3A_8 = arith.constant 0 : i32
    %dma_start3A_9 = tpu.memref_slice %arg6[%dma_start3A, %dma_start3A_8] : memref<5x80xi32, #tpu.memory_space<vmem>> -> memref<1x80xi32, #tpu.memory_space<vmem>>
    %dma_start3A_10 = tpu.memref_squeeze %dma_start3A_9 : memref<1x80xi32, #tpu.memory_space<vmem>> -> memref<80xi32, #tpu.memory_space<vmem>>
    %dma_start3A_11 = tpu.memref_slice %arg3[%add3A_6] : memref<640000xi32, #tpu.memory_space<hbm>> -> memref<80xi32, #tpu.memory_space<hbm>>
    %dma_start3A_12 = tpu.memref_slice %arg11[%dma_start3A_7] : memref<5x!tpu.dma_semaphore, #tpu.memory_space<semaphore_mem>> -> memref<1x!tpu.dma_semaphore, #tpu.memory_space<semaphore_mem>>
    %dma_start3A_13 = tpu.memref_squeeze %dma_start3A_12 : memref<1x!tpu.dma_semaphore, #tpu.memory_space<semaphore_mem>> -> memref<!tpu.dma_semaphore, #tpu.memory_space<semaphore_mem>>
    %dma_start3A_14 = arith.constant 0 : i32
    %dma_start3A_15 = tpu.memref_slice %arg6[%dma_start3A, %dma_start3A_14] : memref<5x80xi32, #tpu.memory_space<vmem>> -> memref<1x80xi32, #tpu.memory_space<vmem>>
    %dma_start3A_16 = tpu.memref_squeeze %dma_start3A_15 : memref<1x80xi32, #tpu.memory_space<vmem>> -> memref<80xi32, #tpu.memory_space<vmem>>
    %dma_start3A_17 = tpu.memref_slice %arg3[%add3A_6] : memref<640000xi32, #tpu.memory_space<hbm>> -> memref<80xi32, #tpu.memory_space<hbm>>
    tpu.enqueue_dma source(%dma_start3A_17 : memref<80xi32, #tpu.memory_space<hbm>>) target(%dma_start3A_16 : memref<80xi32, #tpu.memory_space<vmem>>) target_semaphore(%dma_start3A_13 : memref<!tpu.dma_semaphore, #tpu.memory_space<semaphore_mem>>)
    %mul3A_18 = arith.constant 10000 : i32
    %mul3A_19 = arith.muli %add3A, %mul3A_18 : i32
    %add3A_20 = arith.constant 320000 : i32
    %add3A_21 = arith.addi %add3A_20, %mul3A_19 : i32
    %add3A_22 = arith.constant 0 : i32
    %add3A_23 = arith.addi %add3A_21, %add3A_22 : i32
    %dma_start3A_24 = arith.constant 0 : i32
    %dma_start3A_25 = arith.constant 0 : i32
    %dma_start3A_26 = arith.constant 0 : i32
    %dma_start3A_27 = tpu.memref_slice %arg7[%dma_start3A_24, %dma_start3A_26] : memref<5x80xi32, #tpu.memory_space<vmem>> -> memref<1x80xi32, #tpu.memory_space<vmem>>
    %dma_start3A_28 = tpu.memref_squeeze %dma_start3A_27 : memref<1x80xi32, #tpu.memory_space<vmem>> -> memref<80xi32, #tpu.memory_space<vmem>>
    %dma_start3A_29 = tpu.memref_slice %arg3[%add3A_23] : memref<640000xi32, #tpu.memory_space<hbm>> -> memref<80xi32, #tpu.memory_space<hbm>>
    %dma_start3A_30 = tpu.memref_slice %arg12[%dma_start3A_25] : memref<5x!tpu.dma_semaphore, #tpu.memory_space<semaphore_mem>> -> memref<1x!tpu.dma_semaphore, #tpu.memory_space<semaphore_mem>>
    %dma_start3A_31 = tpu.memref_squeeze %dma_start3A_30 : memref<1x!tpu.dma_semaphore, #tpu.memory_space<semaphore_mem>> -> memref<!tpu.dma_semaphore, #tpu.memory_space<semaphore_mem>>
    %dma_start3A_32 = arith.constant 0 : i32
    %dma_start3A_33 = tpu.memref_slice %arg7[%dma_start3A_24, %dma_start3A_32] : memref<5x80xi32, #tpu.memory_space<vmem>> -> memref<1x80xi32, #tpu.memory_space<vmem>>
    %dma_start3A_34 = tpu.memref_squeeze %dma_start3A_33 : memref<1x80xi32, #tpu.memory_space<vmem>> -> memref<80xi32, #tpu.memory_space<vmem>>
    %dma_start3A_35 = tpu.memref_slice %arg3[%add3A_23] : memref<640000xi32, #tpu.memory_space<hbm>> -> memref<80xi32, #tpu.memory_space<hbm>>
    tpu.enqueue_dma source(%dma_start3A_35 : memref<80xi32, #tpu.memory_space<hbm>>) target(%dma_start3A_34 : memref<80xi32, #tpu.memory_space<vmem>>) target_semaphore(%dma_start3A_31 : memref<!tpu.dma_semaphore, #tpu.memory_space<semaphore_mem>>)
    %mul3A_36 = arith.constant 10000 : i32
    %mul3A_37 = arith.muli %add3A, %mul3A_36 : i32
    %add3A_38 = arith.constant 80 : i32
    %add3A_39 = arith.addi %mul3A_37, %add3A_38 : i32
    %dma_start3A_40 = arith.constant 1 : i32
    %dma_start3A_41 = arith.constant 1 : i32
    %dma_start3A_42 = arith.constant 0 : i32
    %dma_start3A_43 = tpu.memref_slice %arg6[%dma_start3A_40, %dma_start3A_42] : memref<5x80xi32, #tpu.memory_space<vmem>> -> memref<1x80xi32, #tpu.memory_space<vmem>>
    %dma_start3A_44 = tpu.memref_squeeze %dma_start3A_43 : memref<1x80xi32, #tpu.memory_space<vmem>> -> memref<80xi32, #tpu.memory_space<vmem>>
    %dma_start3A_45 = tpu.memref_slice %arg3[%add3A_39] : memref<640000xi32, #tpu.memory_space<hbm>> -> memref<80xi32, #tpu.memory_space<hbm>>
    %dma_start3A_46 = tpu.memref_slice %arg11[%dma_start3A_41] : memref<5x!tpu.dma_semaphore, #tpu.memory_space<semaphore_mem>> -> memref<1x!tpu.dma_semaphore, #tpu.memory_space<semaphore_mem>>
    %dma_start3A_47 = tpu.memref_squeeze %dma_start3A_46 : memref<1x!tpu.dma_semaphore, #tpu.memory_space<semaphore_mem>> -> memref<!tpu.dma_semaphore, #tpu.memory_space<semaphore_mem>>
    %dma_start3A_48 = arith.constant 0 : i32
    %dma_start3A_49 = tpu.memref_slice %arg6[%dma_start3A_40, %dma_start3A_48] : memref<5x80xi32, #tpu.memory_space<vmem>> -> memref<1x80xi32, #tpu.memory_space<vmem>>
    %dma_start3A_50 = tpu.memref_squeeze %dma_start3A_49 : memref<1x80xi32, #tpu.memory_space<vmem>> -> memref<80xi32, #tpu.memory_space<vmem>>
    %dma_start3A_51 = tpu.memref_slice %arg3[%add3A_39] : memref<640000xi32, #tpu.memory_space<hbm>> -> memref<80xi32, #tpu.memory_space<hbm>>
    tpu.enqueue_dma source(%dma_start3A_51 : memref<80xi32, #tpu.memory_space<hbm>>) target(%dma_start3A_50 : memref<80xi32, #tpu.memory_space<vmem>>) target_semaphore(%dma_start3A_47 : memref<!tpu.dma_semaphore, #tpu.memory_space<semaphore_mem>>)
    %mul3A_52 = arith.constant 10000 : i32
    %mul3A_53 = arith.muli %add3A, %mul3A_52 : i32
    %add3A_54 = arith.constant 320000 : i32
    %add3A_55 = arith.addi %add3A_54, %mul3A_53 : i32
    %add3A_56 = arith.constant 80 : i32
    %add3A_57 = arith.addi %add3A_55, %add3A_56 : i32
    %dma_start3A_58 = arith.constant 1 : i32
    %dma_start3A_59 = arith.constant 1 : i32
    %dma_start3A_60 = arith.constant 0 : i32
    %dma_start3A_61 = tpu.memref_slice %arg7[%dma_start3A_58, %dma_start3A_60] : memref<5x80xi32, #tpu.memory_space<vmem>> -> memref<1x80xi32, #tpu.memory_space<vmem>>
    %dma_start3A_62 = tpu.memref_squeeze %dma_start3A_61 : memref<1x80xi32, #tpu.memory_space<vmem>> -> memref<80xi32, #tpu.memory_space<vmem>>
    %dma_start3A_63 = tpu.memref_slice %arg3[%add3A_57] : memref<640000xi32, #tpu.memory_space<hbm>> -> memref<80xi32, #tpu.memory_space<hbm>>
    %dma_start3A_64 = tpu.memref_slice %arg12[%dma_start3A_59] : memref<5x!tpu.dma_semaphore, #tpu.memory_space<semaphore_mem>> -> memref<1x!tpu.dma_semaphore, #tpu.memory_space<semaphore_mem>>
    %dma_start3A_65 = tpu.memref_squeeze %dma_start3A_64 : memref<1x!tpu.dma_semaphore, #tpu.memory_space<semaphore_mem>> -> memref<!tpu.dma_semaphore, #tpu.memory_space<semaphore_mem>>
    %dma_start3A_66 = arith.constant 0 : i32
    %dma_start3A_67 = tpu.memref_slice %arg7[%dma_start3A_58, %dma_start3A_66] : memref<5x80xi32, #tpu.memory_space<vmem>> -> memref<1x80xi32, #tpu.memory_space<vmem>>
    %dma_start3A_68 = tpu.memref_squeeze %dma_start3A_67 : memref<1x80xi32, #tpu.memory_space<vmem>> -> memref<80xi32, #tpu.memory_space<vmem>>
    %dma_start3A_69 = tpu.memref_slice %arg3[%add3A_57] : memref<640000xi32, #tpu.memory_space<hbm>> -> memref<80xi32, #tpu.memory_space<hbm>>
    tpu.enqueue_dma source(%dma_start3A_69 : memref<80xi32, #tpu.memory_space<hbm>>) target(%dma_start3A_68 : memref<80xi32, #tpu.memory_space<vmem>>) target_semaphore(%dma_start3A_65 : memref<!tpu.dma_semaphore, #tpu.memory_space<semaphore_mem>>)
    %mul3A_70 = arith.constant 10000 : i32
    %mul3A_71 = arith.muli %add3A, %mul3A_70 : i32
    %add3A_72 = arith.constant 160 : i32
    %add3A_73 = arith.addi %mul3A_71, %add3A_72 : i32
    %dma_start3A_74 = arith.constant 2 : i32
    %dma_start3A_75 = arith.constant 2 : i32
    %dma_start3A_76 = arith.constant 0 : i32
    %dma_start3A_77 = tpu.memref_slice %arg6[%dma_start3A_74, %dma_start3A_76] : memref<5x80xi32, #tpu.memory_space<vmem>> -> memref<1x80xi32, #tpu.memory_space<vmem>>
    %dma_start3A_78 = tpu.memref_squeeze %dma_start3A_77 : memref<1x80xi32, #tpu.memory_space<vmem>> -> memref<80xi32, #tpu.memory_space<vmem>>
    %dma_start3A_79 = tpu.memref_slice %arg3[%add3A_73] : memref<640000xi32, #tpu.memory_space<hbm>> -> memref<80xi32, #tpu.memory_space<hbm>>
    %dma_start3A_80 = tpu.memref_slice %arg11[%dma_start3A_75] : memref<5x!tpu.dma_semaphore, #tpu.memory_space<semaphore_mem>> -> memref<1x!tpu.dma_semaphore, #tpu.memory_space<semaphore_mem>>
    %dma_start3A_81 = tpu.memref_squeeze %dma_start3A_80 : memref<1x!tpu.dma_semaphore, #tpu.memory_space<semaphore_mem>> -> memref<!tpu.dma_semaphore, #tpu.memory_space<semaphore_mem>>
    %dma_start3A_82 = arith.constant 0 : i32
    %dma_start3A_83 = tpu.memref_slice %arg6[%dma_start3A_74, %dma_start3A_82] : memref<5x80xi32, #tpu.memory_space<vmem>> -> memref<1x80xi32, #tpu.memory_space<vmem>>
    %dma_start3A_84 = tpu.memref_squeeze %dma_start3A_83 : memref<1x80xi32, #tpu.memory_space<vmem>> -> memref<80xi32, #tpu.memory_space<vmem>>
    %dma_start3A_85 = tpu.memref_slice %arg3[%add3A_73] : memref<640000xi32, #tpu.memory_space<hbm>> -> memref<80xi32, #tpu.memory_space<hbm>>
    tpu.enqueue_dma source(%dma_start3A_85 : memref<80xi32, #tpu.memory_space<hbm>>) target(%dma_start3A_84 : memref<80xi32, #tpu.memory_space<vmem>>) target_semaphore(%dma_start3A_81 : memref<!tpu.dma_semaphore, #tpu.memory_space<semaphore_mem>>)
    %mul3A_86 = arith.constant 10000 : i32
    %mul3A_87 = arith.muli %add3A, %mul3A_86 : i32
    %add3A_88 = arith.constant 320000 : i32
    %add3A_89 = arith.addi %add3A_88, %mul3A_87 : i32
    %add3A_90 = arith.constant 160 : i32
    %add3A_91 = arith.addi %add3A_89, %add3A_90 : i32
    %dma_start3A_92 = arith.constant 2 : i32
    %dma_start3A_93 = arith.constant 2 : i32
    %dma_start3A_94 = arith.constant 0 : i32
    %dma_start3A_95 = tpu.memref_slice %arg7[%dma_start3A_92, %dma_start3A_94] : memref<5x80xi32, #tpu.memory_space<vmem>> -> memref<1x80xi32, #tpu.memory_space<vmem>>
    %dma_start3A_96 = tpu.memref_squeeze %dma_start3A_95 : memref<1x80xi32, #tpu.memory_space<vmem>> -> memref<80xi32, #tpu.memory_space<vmem>>
    %dma_start3A_97 = tpu.memref_slice %arg3[%add3A_91] : memref<640000xi32, #tpu.memory_space<hbm>> -> memref<80xi32, #tpu.memory_space<hbm>>
    %dma_start3A_98 = tpu.memref_slice %arg12[%dma_start3A_93] : memref<5x!tpu.dma_semaphore, #tpu.memory_space<semaphore_mem>> -> memref<1x!tpu.dma_semaphore, #tpu.memory_space<semaphore_mem>>
    %dma_start3A_99 = tpu.memref_squeeze %dma_start3A_98 : memref<1x!tpu.dma_semaphore, #tpu.memory_space<semaphore_mem>> -> memref<!tpu.dma_semaphore, #tpu.memory_space<semaphore_mem>>
    %dma_start3A_100 = arith.constant 0 : i32
    %dma_start3A_101 = tpu.memref_slice %arg7[%dma_start3A_92, %dma_start3A_100] : memref<5x80xi32, #tpu.memory_space<vmem>> -> memref<1x80xi32, #tpu.memory_space<vmem>>
    %dma_start3A_102 = tpu.memref_squeeze %dma_start3A_101 : memref<1x80xi32, #tpu.memory_space<vmem>> -> memref<80xi32, #tpu.memory_space<vmem>>
    %dma_start3A_103 = tpu.memref_slice %arg3[%add3A_91] : memref<640000xi32, #tpu.memory_space<hbm>> -> memref<80xi32, #tpu.memory_space<hbm>>
    tpu.enqueue_dma source(%dma_start3A_103 : memref<80xi32, #tpu.memory_space<hbm>>) target(%dma_start3A_102 : memref<80xi32, #tpu.memory_space<vmem>>) target_semaphore(%dma_start3A_99 : memref<!tpu.dma_semaphore, #tpu.memory_space<semaphore_mem>>)
    %mul3A_104 = arith.constant 10000 : i32
    %mul3A_105 = arith.muli %add3A, %mul3A_104 : i32
    %add3A_106 = arith.constant 240 : i32
    %add3A_107 = arith.addi %mul3A_105, %add3A_106 : i32
    %dma_start3A_108 = arith.constant 3 : i32
    %dma_start3A_109 = arith.constant 3 : i32
    %dma_start3A_110 = arith.constant 0 : i32
    %dma_start3A_111 = tpu.memref_slice %arg6[%dma_start3A_108, %dma_start3A_110] : memref<5x80xi32, #tpu.memory_space<vmem>> -> memref<1x80xi32, #tpu.memory_space<vmem>>
    %dma_start3A_112 = tpu.memref_squeeze %dma_start3A_111 : memref<1x80xi32, #tpu.memory_space<vmem>> -> memref<80xi32, #tpu.memory_space<vmem>>
    %dma_start3A_113 = tpu.memref_slice %arg3[%add3A_107] : memref<640000xi32, #tpu.memory_space<hbm>> -> memref<80xi32, #tpu.memory_space<hbm>>
    %dma_start3A_114 = tpu.memref_slice %arg11[%dma_start3A_109] : memref<5x!tpu.dma_semaphore, #tpu.memory_space<semaphore_mem>> -> memref<1x!tpu.dma_semaphore, #tpu.memory_space<semaphore_mem>>
    %dma_start3A_115 = tpu.memref_squeeze %dma_start3A_114 : memref<1x!tpu.dma_semaphore, #tpu.memory_space<semaphore_mem>> -> memref<!tpu.dma_semaphore, #tpu.memory_space<semaphore_mem>>
    %dma_start3A_116 = arith.constant 0 : i32
    %dma_start3A_117 = tpu.memref_slice %arg6[%dma_start3A_108, %dma_start3A_116] : memref<5x80xi32, #tpu.memory_space<vmem>> -> memref<1x80xi32, #tpu.memory_space<vmem>>
    %dma_start3A_118 = tpu.memref_squeeze %dma_start3A_117 : memref<1x80xi32, #tpu.memory_space<vmem>> -> memref<80xi32, #tpu.memory_space<vmem>>
    %dma_start3A_119 = tpu.memref_slice %arg3[%add3A_107] : memref<640000xi32, #tpu.memory_space<hbm>> -> memref<80xi32, #tpu.memory_space<hbm>>
    tpu.enqueue_dma source(%dma_start3A_119 : memref<80xi32, #tpu.memory_space<hbm>>) target(%dma_start3A_118 : memref<80xi32, #tpu.memory_space<vmem>>) target_semaphore(%dma_start3A_115 : memref<!tpu.dma_semaphore, #tpu.memory_space<semaphore_mem>>)
    %mul3A_120 = arith.constant 10000 : i32
    %mul3A_121 = arith.muli %add3A, %mul3A_120 : i32
    %add3A_122 = arith.constant 320000 : i32
    %add3A_123 = arith.addi %add3A_122, %mul3A_121 : i32
    %add3A_124 = arith.constant 240 : i32
    %add3A_125 = arith.addi %add3A_123, %add3A_124 : i32
    %dma_start3A_126 = arith.constant 3 : i32
    %dma_start3A_127 = arith.constant 3 : i32
    %dma_start3A_128 = arith.constant 0 : i32
    %dma_start3A_129 = tpu.memref_slice %arg7[%dma_start3A_126, %dma_start3A_128] : memref<5x80xi32, #tpu.memory_space<vmem>> -> memref<1x80xi32, #tpu.memory_space<vmem>>
    %dma_start3A_130 = tpu.memref_squeeze %dma_start3A_129 : memref<1x80xi32, #tpu.memory_space<vmem>> -> memref<80xi32, #tpu.memory_space<vmem>>
    %dma_start3A_131 = tpu.memref_slice %arg3[%add3A_125] : memref<640000xi32, #tpu.memory_space<hbm>> -> memref<80xi32, #tpu.memory_space<hbm>>
    %dma_start3A_132 = tpu.memref_slice %arg12[%dma_start3A_127] : memref<5x!tpu.dma_semaphore, #tpu.memory_space<semaphore_mem>> -> memref<1x!tpu.dma_semaphore, #tpu.memory_space<semaphore_mem>>
    %dma_start3A_133 = tpu.memref_squeeze %dma_start3A_132 : memref<1x!tpu.dma_semaphore, #tpu.memory_space<semaphore_mem>> -> memref<!tpu.dma_semaphore, #tpu.memory_space<semaphore_mem>>
    %dma_start3A_134 = arith.constant 0 : i32
    %dma_start3A_135 = tpu.memref_slice %arg7[%dma_start3A_126, %dma_start3A_134] : memref<5x80xi32, #tpu.memory_space<vmem>> -> memref<1x80xi32, #tpu.memory_space<vmem>>
    %dma_start3A_136 = tpu.memref_squeeze %dma_start3A_135 : memref<1x80xi32, #tpu.memory_space<vmem>> -> memref<80xi32, #tpu.memory_space<vmem>>
    %dma_start3A_137 = tpu.memref_slice %arg3[%add3A_125] : memref<640000xi32, #tpu.memory_space<hbm>> -> memref<80xi32, #tpu.memory_space<hbm>>
    tpu.enqueue_dma source(%dma_start3A_137 : memref<80xi32, #tpu.memory_space<hbm>>) target(%dma_start3A_136 : memref<80xi32, #tpu.memory_space<vmem>>) target_semaphore(%dma_start3A_133 : memref<!tpu.dma_semaphore, #tpu.memory_space<semaphore_mem>>)
    %dma_wait3A = arith.constant 0 : i32
    %dma_wait3A_138 = arith.constant 0 : i32
    %dma_wait3A_139 = arith.constant 0 : i32
    %dma_wait3A_140 = tpu.memref_slice %arg6[%dma_wait3A, %dma_wait3A_139] : memref<5x80xi32, #tpu.memory_space<vmem>> -> memref<1x80xi32, #tpu.memory_space<vmem>>
    %dma_wait3A_141 = tpu.memref_squeeze %dma_wait3A_140 : memref<1x80xi32, #tpu.memory_space<vmem>> -> memref<80xi32, #tpu.memory_space<vmem>>
    %dma_wait3A_142 = arith.constant 0 : i32
    %dma_wait3A_143 = tpu.memref_slice %arg3[%dma_wait3A_142] : memref<640000xi32, #tpu.memory_space<hbm>> -> memref<80xi32, #tpu.memory_space<hbm>>
    %dma_wait3A_144 = tpu.memref_slice %arg11[%dma_wait3A_138] : memref<5x!tpu.dma_semaphore, #tpu.memory_space<semaphore_mem>> -> memref<1x!tpu.dma_semaphore, #tpu.memory_space<semaphore_mem>>
    %dma_wait3A_145 = tpu.memref_squeeze %dma_wait3A_144 : memref<1x!tpu.dma_semaphore, #tpu.memory_space<semaphore_mem>> -> memref<!tpu.dma_semaphore, #tpu.memory_space<semaphore_mem>>
    %dma_wait3A_146 = arith.constant 0 : i32
    %dma_wait3A_147 = tpu.memref_slice %arg6[%dma_wait3A, %dma_wait3A_146] : memref<5x80xi32, #tpu.memory_space<vmem>> -> memref<1x80xi32, #tpu.memory_space<vmem>>
    %dma_wait3A_148 = tpu.memref_squeeze %dma_wait3A_147 : memref<1x80xi32, #tpu.memory_space<vmem>> -> memref<80xi32, #tpu.memory_space<vmem>>
    %dma_wait3A_149 = arith.constant 0 : i32
    %dma_wait3A_150 = tpu.memref_slice %arg3[%dma_wait3A_149] : memref<640000xi32, #tpu.memory_space<hbm>> -> memref<80xi32, #tpu.memory_space<hbm>>
    tpu.wait_dma2 semaphore(%dma_wait3A_145 : memref<!tpu.dma_semaphore, #tpu.memory_space<semaphore_mem>>) src(%dma_wait3A_150 : memref<80xi32, #tpu.memory_space<hbm>>) dst(%dma_wait3A_148 : memref<80xi32, #tpu.memory_space<vmem>>)
    %dma_start3A_151 = arith.constant 0 : i32
    %dma_start3A_152 = arith.constant 0 : i32
    %dma_start3A_153 = arith.constant 0 : i32
    %dma_start3A_154 = arith.constant 0 : i32
    %dma_start3A_155 = arith.constant 0 : i32
    %dma_start3A_156 = tpu.memref_slice %arg8[%dma_start3A_152, %dma_start3A_154, %dma_start3A_155] : memref<4x80x128xf32, #tpu.memory_space<vmem>> -> memref<1x80x128xf32, #tpu.memory_space<vmem>>
    %dma_start3A_157 = tpu.memref_squeeze %dma_start3A_156 : memref<1x80x128xf32, #tpu.memory_space<vmem>> -> memref<80x128xf32, #tpu.memory_space<vmem>>
    %dma_start3A_158 = arith.constant 0 : i32
    %dma_start3A_159 = tpu.memref_slice %arg6[%dma_start3A_151, %dma_start3A_158] : memref<5x80xi32, #tpu.memory_space<vmem>> -> memref<1x80xi32, #tpu.memory_space<vmem>>
    %dma_start3A_160 = tpu.memref_squeeze %dma_start3A_159 : memref<1x80xi32, #tpu.memory_space<vmem>> -> memref<80xi32, #tpu.memory_space<vmem>>
    %dma_start3A_161 = arith.constant 0 : i32
    %dma_start3A_162 = arith.constant 0 : i32
    %dma_start3A_163 = tpu.memref_slice %arg2[%dma_start3A_161, %dma_start3A_162] : memref<10000x128xf32, #tpu.memory_space<hbm>> -> memref<10000x128xf32, #tpu.memory_space<hbm>>
    %dma_start3A_164 = tpu.memref_slice %arg9[%dma_start3A_153] : memref<4x!tpu.dma_semaphore, #tpu.memory_space<semaphore_mem>> -> memref<1x!tpu.dma_semaphore, #tpu.memory_space<semaphore_mem>>
    %dma_start3A_165 = tpu.memref_squeeze %dma_start3A_164 : memref<1x!tpu.dma_semaphore, #tpu.memory_space<semaphore_mem>> -> memref<!tpu.dma_semaphore, #tpu.memory_space<semaphore_mem>>
    tpu.enqueue_indirect_dma source(%dma_start3A_163 : memref<10000x128xf32, #tpu.memory_space<hbm>>) target(%dma_start3A_157 : memref<80x128xf32, #tpu.memory_space<vmem>>) offsets(%dma_start3A_160 : memref<80xi32, #tpu.memory_space<vmem>>) semaphore(%dma_start3A_165 : memref<!tpu.dma_semaphore, #tpu.memory_space<semaphore_mem>>)
    %dma_wait3A_166 = arith.constant 1 : i32
    %dma_wait3A_167 = arith.constant 1 : i32
    %dma_wait3A_168 = arith.constant 0 : i32
    %dma_wait3A_169 = tpu.memref_slice %arg6[%dma_wait3A_166, %dma_wait3A_168] : memref<5x80xi32, #tpu.memory_space<vmem>> -> memref<1x80xi32, #tpu.memory_space<vmem>>
    %dma_wait3A_170 = tpu.memref_squeeze %dma_wait3A_169 : memref<1x80xi32, #tpu.memory_space<vmem>> -> memref<80xi32, #tpu.memory_space<vmem>>
    %dma_wait3A_171 = arith.constant 0 : i32
    %dma_wait3A_172 = tpu.memref_slice %arg3[%dma_wait3A_171] : memref<640000xi32, #tpu.memory_space<hbm>> -> memref<80xi32, #tpu.memory_space<hbm>>
    %dma_wait3A_173 = tpu.memref_slice %arg11[%dma_wait3A_167] : memref<5x!tpu.dma_semaphore, #tpu.memory_space<semaphore_mem>> -> memref<1x!tpu.dma_semaphore, #tpu.memory_space<semaphore_mem>>
    %dma_wait3A_174 = tpu.memref_squeeze %dma_wait3A_173 : memref<1x!tpu.dma_semaphore, #tpu.memory_space<semaphore_mem>> -> memref<!tpu.dma_semaphore, #tpu.memory_space<semaphore_mem>>
    %dma_wait3A_175 = arith.constant 0 : i32
    %dma_wait3A_176 = tpu.memref_slice %arg6[%dma_wait3A_166, %dma_wait3A_175] : memref<5x80xi32, #tpu.memory_space<vmem>> -> memref<1x80xi32, #tpu.memory_space<vmem>>
    %dma_wait3A_177 = tpu.memref_squeeze %dma_wait3A_176 : memref<1x80xi32, #tpu.memory_space<vmem>> -> memref<80xi32, #tpu.memory_space<vmem>>
    %dma_wait3A_178 = arith.constant 0 : i32
    %dma_wait3A_179 = tpu.memref_slice %arg3[%dma_wait3A_178] : memref<640000xi32, #tpu.memory_space<hbm>> -> memref<80xi32, #tpu.memory_space<hbm>>
    tpu.wait_dma2 semaphore(%dma_wait3A_174 : memref<!tpu.dma_semaphore, #tpu.memory_space<semaphore_mem>>) src(%dma_wait3A_179 : memref<80xi32, #tpu.memory_space<hbm>>) dst(%dma_wait3A_177 : memref<80xi32, #tpu.memory_space<vmem>>)
    %dma_start3A_180 = arith.constant 1 : i32
    %dma_start3A_181 = arith.constant 1 : i32
    %dma_start3A_182 = arith.constant 1 : i32
    %dma_start3A_183 = arith.constant 0 : i32
    %dma_start3A_184 = arith.constant 0 : i32
    %dma_start3A_185 = tpu.memref_slice %arg8[%dma_start3A_181, %dma_start3A_183, %dma_start3A_184] : memref<4x80x128xf32, #tpu.memory_space<vmem>> -> memref<1x80x128xf32, #tpu.memory_space<vmem>>
    %dma_start3A_186 = tpu.memref_squeeze %dma_start3A_185 : memref<1x80x128xf32, #tpu.memory_space<vmem>> -> memref<80x128xf32, #tpu.memory_space<vmem>>
    %dma_start3A_187 = arith.constant 0 : i32
    %dma_start3A_188 = tpu.memref_slice %arg6[%dma_start3A_180, %dma_start3A_187] : memref<5x80xi32, #tpu.memory_space<vmem>> -> memref<1x80xi32, #tpu.memory_space<vmem>>
    %dma_start3A_189 = tpu.memref_squeeze %dma_start3A_188 : memref<1x80xi32, #tpu.memory_space<vmem>> -> memref<80xi32, #tpu.memory_space<vmem>>
    %dma_start3A_190 = arith.constant 0 : i32
    %dma_start3A_191 = arith.constant 0 : i32
    %dma_start3A_192 = tpu.memref_slice %arg2[%dma_start3A_190, %dma_start3A_191] : memref<10000x128xf32, #tpu.memory_space<hbm>> -> memref<10000x128xf32, #tpu.memory_space<hbm>>
    %dma_start3A_193 = tpu.memref_slice %arg9[%dma_start3A_182] : memref<4x!tpu.dma_semaphore, #tpu.memory_space<semaphore_mem>> -> memref<1x!tpu.dma_semaphore, #tpu.memory_space<semaphore_mem>>
    %dma_start3A_194 = tpu.memref_squeeze %dma_start3A_193 : memref<1x!tpu.dma_semaphore, #tpu.memory_space<semaphore_mem>> -> memref<!tpu.dma_semaphore, #tpu.memory_space<semaphore_mem>>
    tpu.enqueue_indirect_dma source(%dma_start3A_192 : memref<10000x128xf32, #tpu.memory_space<hbm>>) target(%dma_start3A_186 : memref<80x128xf32, #tpu.memory_space<vmem>>) offsets(%dma_start3A_189 : memref<80xi32, #tpu.memory_space<vmem>>) semaphore(%dma_start3A_194 : memref<!tpu.dma_semaphore, #tpu.memory_space<semaphore_mem>>)
    %dma_wait3A_195 = arith.constant 2 : i32
    %dma_wait3A_196 = arith.constant 2 : i32
    %dma_wait3A_197 = arith.constant 0 : i32
    %dma_wait3A_198 = tpu.memref_slice %arg6[%dma_wait3A_195, %dma_wait3A_197] : memref<5x80xi32, #tpu.memory_space<vmem>> -> memref<1x80xi32, #tpu.memory_space<vmem>>
    %dma_wait3A_199 = tpu.memref_squeeze %dma_wait3A_198 : memref<1x80xi32, #tpu.memory_space<vmem>> -> memref<80xi32, #tpu.memory_space<vmem>>
    %dma_wait3A_200 = arith.constant 0 : i32
    %dma_wait3A_201 = tpu.memref_slice %arg3[%dma_wait3A_200] : memref<640000xi32, #tpu.memory_space<hbm>> -> memref<80xi32, #tpu.memory_space<hbm>>
    %dma_wait3A_202 = tpu.memref_slice %arg11[%dma_wait3A_196] : memref<5x!tpu.dma_semaphore, #tpu.memory_space<semaphore_mem>> -> memref<1x!tpu.dma_semaphore, #tpu.memory_space<semaphore_mem>>
    %dma_wait3A_203 = tpu.memref_squeeze %dma_wait3A_202 : memref<1x!tpu.dma_semaphore, #tpu.memory_space<semaphore_mem>> -> memref<!tpu.dma_semaphore, #tpu.memory_space<semaphore_mem>>
    %dma_wait3A_204 = arith.constant 0 : i32
    %dma_wait3A_205 = tpu.memref_slice %arg6[%dma_wait3A_195, %dma_wait3A_204] : memref<5x80xi32, #tpu.memory_space<vmem>> -> memref<1x80xi32, #tpu.memory_space<vmem>>
    %dma_wait3A_206 = tpu.memref_squeeze %dma_wait3A_205 : memref<1x80xi32, #tpu.memory_space<vmem>> -> memref<80xi32, #tpu.memory_space<vmem>>
    %dma_wait3A_207 = arith.constant 0 : i32
    %dma_wait3A_208 = tpu.memref_slice %arg3[%dma_wait3A_207] : memref<640000xi32, #tpu.memory_space<hbm>> -> memref<80xi32, #tpu.memory_space<hbm>>
    tpu.wait_dma2 semaphore(%dma_wait3A_203 : memref<!tpu.dma_semaphore, #tpu.memory_space<semaphore_mem>>) src(%dma_wait3A_208 : memref<80xi32, #tpu.memory_space<hbm>>) dst(%dma_wait3A_206 : memref<80xi32, #tpu.memory_space<vmem>>)
    %dma_start3A_209 = arith.constant 2 : i32
    %dma_start3A_210 = arith.constant 2 : i32
    %dma_start3A_211 = arith.constant 2 : i32
    %dma_start3A_212 = arith.constant 0 : i32
    %dma_start3A_213 = arith.constant 0 : i32
    %dma_start3A_214 = tpu.memref_slice %arg8[%dma_start3A_210, %dma_start3A_212, %dma_start3A_213] : memref<4x80x128xf32, #tpu.memory_space<vmem>> -> memref<1x80x128xf32, #tpu.memory_space<vmem>>
    %dma_start3A_215 = tpu.memref_squeeze %dma_start3A_214 : memref<1x80x128xf32, #tpu.memory_space<vmem>> -> memref<80x128xf32, #tpu.memory_space<vmem>>
    %dma_start3A_216 = arith.constant 0 : i32
    %dma_start3A_217 = tpu.memref_slice %arg6[%dma_start3A_209, %dma_start3A_216] : memref<5x80xi32, #tpu.memory_space<vmem>> -> memref<1x80xi32, #tpu.memory_space<vmem>>
    %dma_start3A_218 = tpu.memref_squeeze %dma_start3A_217 : memref<1x80xi32, #tpu.memory_space<vmem>> -> memref<80xi32, #tpu.memory_space<vmem>>
    %dma_start3A_219 = arith.constant 0 : i32
    %dma_start3A_220 = arith.constant 0 : i32
    %dma_start3A_221 = tpu.memref_slice %arg2[%dma_start3A_219, %dma_start3A_220] : memref<10000x128xf32, #tpu.memory_space<hbm>> -> memref<10000x128xf32, #tpu.memory_space<hbm>>
    %dma_start3A_222 = tpu.memref_slice %arg9[%dma_start3A_211] : memref<4x!tpu.dma_semaphore, #tpu.memory_space<semaphore_mem>> -> memref<1x!tpu.dma_semaphore, #tpu.memory_space<semaphore_mem>>
    %dma_start3A_223 = tpu.memref_squeeze %dma_start3A_222 : memref<1x!tpu.dma_semaphore, #tpu.memory_space<semaphore_mem>> -> memref<!tpu.dma_semaphore, #tpu.memory_space<semaphore_mem>>
    tpu.enqueue_indirect_dma source(%dma_start3A_221 : memref<10000x128xf32, #tpu.memory_space<hbm>>) target(%dma_start3A_215 : memref<80x128xf32, #tpu.memory_space<vmem>>) offsets(%dma_start3A_218 : memref<80xi32, #tpu.memory_space<vmem>>) semaphore(%dma_start3A_223 : memref<!tpu.dma_semaphore, #tpu.memory_space<semaphore_mem>>)
    %scan3A = arith.constant 0 : i32
    %scan3A_224 = arith.constant 0 : i32
    %scan3A_225 = arith.constant 125 : i32
    %scan3A_226 = arith.addi %scan3A_224, %scan3A_225 : i32
    %scan3A_227 = arith.constant 1 : i32
    %scan3A_228 = scf.for %scan3A_253 = %scan3A_224 to %scan3A_226 step %scan3A_227 iter_args(%scan3A_254 = %scan3A) -> (i32)  : i32 {
      %rem3A = arith.constant 4 : i32
      %rem3A_255 = arith.remsi %scan3A_253, %rem3A : i32
      %rem3A_256 = arith.constant 5 : i32
      %rem3A_257 = arith.remsi %scan3A_253, %rem3A_256 : i32
      %dma_wait3A_258 = arith.constant 0 : i32
      %dma_wait3A_259 = arith.constant 0 : i32
      %dma_wait3A_260 = tpu.memref_slice %arg8[%rem3A_255, %dma_wait3A_258, %dma_wait3A_259] : memref<4x80x128xf32, #tpu.memory_space<vmem>> -> memref<1x80x128xf32, #tpu.memory_space<vmem>>
      %dma_wait3A_261 = tpu.memref_squeeze %dma_wait3A_260 : memref<1x80x128xf32, #tpu.memory_space<vmem>> -> memref<80x128xf32, #tpu.memory_space<vmem>>
      %dma_wait3A_262 = arith.constant 0 : i32
      %dma_wait3A_263 = arith.constant 0 : i32
      %dma_wait3A_264 = tpu.memref_slice %arg2[%dma_wait3A_262, %dma_wait3A_263] : memref<10000x128xf32, #tpu.memory_space<hbm>> -> memref<80x128xf32, #tpu.memory_space<hbm>>
      %dma_wait3A_265 = tpu.memref_slice %arg9[%rem3A_255] : memref<4x!tpu.dma_semaphore, #tpu.memory_space<semaphore_mem>> -> memref<1x!tpu.dma_semaphore, #tpu.memory_space<semaphore_mem>>
      %dma_wait3A_266 = tpu.memref_squeeze %dma_wait3A_265 : memref<1x!tpu.dma_semaphore, #tpu.memory_space<semaphore_mem>> -> memref<!tpu.dma_semaphore, #tpu.memory_space<semaphore_mem>>
      %dma_wait3A_267 = arith.constant 0 : i32
      %dma_wait3A_268 = arith.constant 0 : i32
      %dma_wait3A_269 = tpu.memref_slice %arg8[%rem3A_255, %dma_wait3A_267, %dma_wait3A_268] : memref<4x80x128xf32, #tpu.memory_space<vmem>> -> memref<1x80x128xf32, #tpu.memory_space<vmem>>
      %dma_wait3A_270 = tpu.memref_squeeze %dma_wait3A_269 : memref<1x80x128xf32, #tpu.memory_space<vmem>> -> memref<80x128xf32, #tpu.memory_space<vmem>>
      %dma_wait3A_271 = arith.constant 0 : i32
      %dma_wait3A_272 = arith.constant 0 : i32
      %dma_wait3A_273 = tpu.memref_slice %arg2[%dma_wait3A_271, %dma_wait3A_272] : memref<10000x128xf32, #tpu.memory_space<hbm>> -> memref<80x128xf32, #tpu.memory_space<hbm>>
      tpu.wait_dma2 semaphore(%dma_wait3A_266 : memref<!tpu.dma_semaphore, #tpu.memory_space<semaphore_mem>>) src(%dma_wait3A_273 : memref<80x128xf32, #tpu.memory_space<hbm>>) dst(%dma_wait3A_270 : memref<80x128xf32, #tpu.memory_space<vmem>>)
      %dma_wait3A_274 = arith.constant 0 : i32
      %dma_wait3A_275 = tpu.memref_slice %arg7[%rem3A_257, %dma_wait3A_274] : memref<5x80xi32, #tpu.memory_space<vmem>> -> memref<1x80xi32, #tpu.memory_space<vmem>>
      %dma_wait3A_276 = tpu.memref_squeeze %dma_wait3A_275 : memref<1x80xi32, #tpu.memory_space<vmem>> -> memref<80xi32, #tpu.memory_space<vmem>>
      %dma_wait3A_277 = arith.constant 0 : i32
      %dma_wait3A_278 = tpu.memref_slice %arg3[%dma_wait3A_277] : memref<640000xi32, #tpu.memory_space<hbm>> -> memref<80xi32, #tpu.memory_space<hbm>>
      %dma_wait3A_279 = tpu.memref_slice %arg12[%rem3A_257] : memref<5x!tpu.dma_semaphore, #tpu.memory_space<semaphore_mem>> -> memref<1x!tpu.dma_semaphore, #tpu.memory_space<semaphore_mem>>
      %dma_wait3A_280 = tpu.memref_squeeze %dma_wait3A_279 : memref<1x!tpu.dma_semaphore, #tpu.memory_space<semaphore_mem>> -> memref<!tpu.dma_semaphore, #tpu.memory_space<semaphore_mem>>
      %dma_wait3A_281 = arith.constant 0 : i32
      %dma_wait3A_282 = tpu.memref_slice %arg7[%rem3A_257, %dma_wait3A_281] : memref<5x80xi32, #tpu.memory_space<vmem>> -> memref<1x80xi32, #tpu.memory_space<vmem>>
      %dma_wait3A_283 = tpu.memref_squeeze %dma_wait3A_282 : memref<1x80xi32, #tpu.memory_space<vmem>> -> memref<80xi32, #tpu.memory_space<vmem>>
      %dma_wait3A_284 = arith.constant 0 : i32
      %dma_wait3A_285 = tpu.memref_slice %arg3[%dma_wait3A_284] : memref<640000xi32, #tpu.memory_space<hbm>> -> memref<80xi32, #tpu.memory_space<hbm>>
      tpu.wait_dma2 semaphore(%dma_wait3A_280 : memref<!tpu.dma_semaphore, #tpu.memory_space<semaphore_mem>>) src(%dma_wait3A_285 : memref<80xi32, #tpu.memory_space<hbm>>) dst(%dma_wait3A_283 : memref<80xi32, #tpu.memory_space<vmem>>)
      %dma_start3A_286 = arith.constant 0 : i32
      %dma_start3A_287 = arith.constant 0 : i32
      %dma_start3A_288 = tpu.memref_slice %arg8[%rem3A_255, %dma_start3A_286, %dma_start3A_287] : memref<4x80x128xf32, #tpu.memory_space<vmem>> -> memref<1x80x128xf32, #tpu.memory_space<vmem>>
      %dma_start3A_289 = tpu.memref_squeeze %dma_start3A_288 : memref<1x80x128xf32, #tpu.memory_space<vmem>> -> memref<80x128xf32, #tpu.memory_space<vmem>>
      %dma_start3A_290 = arith.constant 0 : i32
      %dma_start3A_291 = tpu.memref_slice %arg7[%rem3A_257, %dma_start3A_290] : memref<5x80xi32, #tpu.memory_space<vmem>> -> memref<1x80xi32, #tpu.memory_space<vmem>>
      %dma_start3A_292 = tpu.memref_squeeze %dma_start3A_291 : memref<1x80xi32, #tpu.memory_space<vmem>> -> memref<80xi32, #tpu.memory_space<vmem>>
      %dma_start3A_293 = arith.constant 0 : i32
      %dma_start3A_294 = arith.constant 0 : i32
      %dma_start3A_295 = tpu.memref_slice %arg13[%dma_start3A_293, %dma_start3A_294] : memref<10240x128xf32, #tpu.memory_space<vmem_shared>> -> memref<10240x128xf32, #tpu.memory_space<vmem_shared>>
      %dma_start3A_296 = tpu.memref_slice %arg10[%rem3A_255] : memref<4x!tpu.dma_semaphore, #tpu.memory_space<semaphore_mem>> -> memref<1x!tpu.dma_semaphore, #tpu.memory_space<semaphore_mem>>
      %dma_start3A_297 = tpu.memref_squeeze %dma_start3A_296 : memref<1x!tpu.dma_semaphore, #tpu.memory_space<semaphore_mem>> -> memref<!tpu.dma_semaphore, #tpu.memory_space<semaphore_mem>>
      tpu.enqueue_indirect_dma source(%dma_start3A_289 : memref<80x128xf32, #tpu.memory_space<vmem>>) target(%dma_start3A_295 : memref<10240x128xf32, #tpu.memory_space<vmem_shared>>) offsets(%dma_start3A_292 : memref<80xi32, #tpu.memory_space<vmem>>) semaphore(%dma_start3A_297 : memref<!tpu.dma_semaphore, #tpu.memory_space<semaphore_mem>>) {add = true}
      %ge3A = arith.constant 1 : i32
      %ge3A_298 = arith.cmpi sge, %scan3A_253, %ge3A : i32
      %convert_element_type3A = arith.extui %ge3A_298 : i1 to i32
      %cond3A = arith.constant 0 : i32
      %cond3A_299 = arith.cmpi ne, %convert_element_type3A, %cond3A : i32
      scf.if %cond3A_299 {
        %sub3A_315 = arith.constant 1 : i32
        %sub3A_316 = arith.subi %scan3A_253, %sub3A_315 : i32
        %rem3A_317 = arith.constant 4 : i32
        %rem3A_318 = arith.remsi %sub3A_316, %rem3A_317 : i32
        %dma_wait3A_319 = arith.constant 0 : i32
        %dma_wait3A_320 = arith.constant 0 : i32
        %dma_wait3A_321 = tpu.memref_slice %arg8[%rem3A_318, %dma_wait3A_319, %dma_wait3A_320] : memref<4x80x128xf32, #tpu.memory_space<vmem>> -> memref<1x80x128xf32, #tpu.memory_space<vmem>>
        %dma_wait3A_322 = tpu.memref_squeeze %dma_wait3A_321 : memref<1x80x128xf32, #tpu.memory_space<vmem>> -> memref<80x128xf32, #tpu.memory_space<vmem>>
        %dma_wait3A_323 = arith.constant 0 : i32
        %dma_wait3A_324 = arith.constant 0 : i32
        %dma_wait3A_325 = tpu.memref_slice %arg2[%dma_wait3A_323, %dma_wait3A_324] : memref<10000x128xf32, #tpu.memory_space<hbm>> -> memref<80x128xf32, #tpu.memory_space<hbm>>
        %dma_wait3A_326 = tpu.memref_slice %arg10[%rem3A_318] : memref<4x!tpu.dma_semaphore, #tpu.memory_space<semaphore_mem>> -> memref<1x!tpu.dma_semaphore, #tpu.memory_space<semaphore_mem>>
        %dma_wait3A_327 = tpu.memref_squeeze %dma_wait3A_326 : memref<1x!tpu.dma_semaphore, #tpu.memory_space<semaphore_mem>> -> memref<!tpu.dma_semaphore, #tpu.memory_space<semaphore_mem>>
        %dma_wait3A_328 = arith.constant 0 : i32
        %dma_wait3A_329 = arith.constant 0 : i32
        %dma_wait3A_330 = tpu.memref_slice %arg8[%rem3A_318, %dma_wait3A_328, %dma_wait3A_329] : memref<4x80x128xf32, #tpu.memory_space<vmem>> -> memref<1x80x128xf32, #tpu.memory_space<vmem>>
        %dma_wait3A_331 = tpu.memref_squeeze %dma_wait3A_330 : memref<1x80x128xf32, #tpu.memory_space<vmem>> -> memref<80x128xf32, #tpu.memory_space<vmem>>
        %dma_wait3A_332 = arith.constant 0 : i32
        %dma_wait3A_333 = arith.constant 0 : i32
        %dma_wait3A_334 = tpu.memref_slice %arg2[%dma_wait3A_332, %dma_wait3A_333] : memref<10000x128xf32, #tpu.memory_space<hbm>> -> memref<80x128xf32, #tpu.memory_space<hbm>>
        tpu.wait_dma2 semaphore(%dma_wait3A_327 : memref<!tpu.dma_semaphore, #tpu.memory_space<semaphore_mem>>) src(%dma_wait3A_334 : memref<80x128xf32, #tpu.memory_space<hbm>>) dst(%dma_wait3A_331 : memref<80x128xf32, #tpu.memory_space<vmem>>)
      } else {
      }
      %add3A_300 = arith.constant 4 : i32
      %add3A_301 = arith.addi %scan3A_253, %add3A_300 : i32
      %lt3A = arith.constant 125 : i32
      %lt3A_302 = arith.cmpi slt, %add3A_301, %lt3A : i32
      %convert_element_type3A_303 = arith.extui %lt3A_302 : i1 to i32
      %cond3A_304 = arith.constant 0 : i32
      %cond3A_305 = arith.cmpi ne, %convert_element_type3A_303, %cond3A_304 : i32
      scf.if %cond3A_305 {
        %rem3A_315 = arith.constant 5 : i32
        %rem3A_316 = arith.remsi %add3A_301, %rem3A_315 : i32
        %mul3A_317 = arith.constant 10000 : i32
        %mul3A_318 = arith.muli %add3A, %mul3A_317 : i32
        %mul3A_319 = arith.constant 80 : i32
        %mul3A_320 = arith.muli %add3A_301, %mul3A_319 : i32
        %add3A_321 = arith.addi %mul3A_318, %mul3A_320 : i32
        %dma_start3A_322 = arith.constant 0 : i32
        %dma_start3A_323 = tpu.memref_slice %arg6[%rem3A_316, %dma_start3A_322] : memref<5x80xi32, #tpu.memory_space<vmem>> -> memref<1x80xi32, #tpu.memory_space<vmem>>
        %dma_start3A_324 = tpu.memref_squeeze %dma_start3A_323 : memref<1x80xi32, #tpu.memory_space<vmem>> -> memref<80xi32, #tpu.memory_space<vmem>>
        %dma_start3A_325 = tpu.memref_slice %arg3[%add3A_321] : memref<640000xi32, #tpu.memory_space<hbm>> -> memref<80xi32, #tpu.memory_space<hbm>>
        %dma_start3A_326 = tpu.memref_slice %arg11[%rem3A_316] : memref<5x!tpu.dma_semaphore, #tpu.memory_space<semaphore_mem>> -> memref<1x!tpu.dma_semaphore, #tpu.memory_space<semaphore_mem>>
        %dma_start3A_327 = tpu.memref_squeeze %dma_start3A_326 : memref<1x!tpu.dma_semaphore, #tpu.memory_space<semaphore_mem>> -> memref<!tpu.dma_semaphore, #tpu.memory_space<semaphore_mem>>
        %dma_start3A_328 = arith.constant 0 : i32
        %dma_start3A_329 = tpu.memref_slice %arg6[%rem3A_316, %dma_start3A_328] : memref<5x80xi32, #tpu.memory_space<vmem>> -> memref<1x80xi32, #tpu.memory_space<vmem>>
        %dma_start3A_330 = tpu.memref_squeeze %dma_start3A_329 : memref<1x80xi32, #tpu.memory_space<vmem>> -> memref<80xi32, #tpu.memory_space<vmem>>
        %dma_start3A_331 = tpu.memref_slice %arg3[%add3A_321] : memref<640000xi32, #tpu.memory_space<hbm>> -> memref<80xi32, #tpu.memory_space<hbm>>
        tpu.enqueue_dma source(%dma_start3A_331 : memref<80xi32, #tpu.memory_space<hbm>>) target(%dma_start3A_330 : memref<80xi32, #tpu.memory_space<vmem>>) target_semaphore(%dma_start3A_327 : memref<!tpu.dma_semaphore, #tpu.memory_space<semaphore_mem>>)
        %mul3A_332 = arith.constant 10000 : i32
        %mul3A_333 = arith.muli %add3A, %mul3A_332 : i32
        %add3A_334 = arith.constant 320000 : i32
        %add3A_335 = arith.addi %add3A_334, %mul3A_333 : i32
        %mul3A_336 = arith.constant 80 : i32
        %mul3A_337 = arith.muli %add3A_301, %mul3A_336 : i32
        %add3A_338 = arith.addi %add3A_335, %mul3A_337 : i32
        %dma_start3A_339 = arith.constant 0 : i32
        %dma_start3A_340 = tpu.memref_slice %arg7[%rem3A_316, %dma_start3A_339] : memref<5x80xi32, #tpu.memory_space<vmem>> -> memref<1x80xi32, #tpu.memory_space<vmem>>
        %dma_start3A_341 = tpu.memref_squeeze %dma_start3A_340 : memref<1x80xi32, #tpu.memory_space<vmem>> -> memref<80xi32, #tpu.memory_space<vmem>>
        %dma_start3A_342 = tpu.memref_slice %arg3[%add3A_338] : memref<640000xi32, #tpu.memory_space<hbm>> -> memref<80xi32, #tpu.memory_space<hbm>>
        %dma_start3A_343 = tpu.memref_slice %arg12[%rem3A_316] : memref<5x!tpu.dma_semaphore, #tpu.memory_space<semaphore_mem>> -> memref<1x!tpu.dma_semaphore, #tpu.memory_space<semaphore_mem>>
        %dma_start3A_344 = tpu.memref_squeeze %dma_start3A_343 : memref<1x!tpu.dma_semaphore, #tpu.memory_space<semaphore_mem>> -> memref<!tpu.dma_semaphore, #tpu.memory_space<semaphore_mem>>
        %dma_start3A_345 = arith.constant 0 : i32
        %dma_start3A_346 = tpu.memref_slice %arg7[%rem3A_316, %dma_start3A_345] : memref<5x80xi32, #tpu.memory_space<vmem>> -> memref<1x80xi32, #tpu.memory_space<vmem>>
        %dma_start3A_347 = tpu.memref_squeeze %dma_start3A_346 : memref<1x80xi32, #tpu.memory_space<vmem>> -> memref<80xi32, #tpu.memory_space<vmem>>
        %dma_start3A_348 = tpu.memref_slice %arg3[%add3A_338] : memref<640000xi32, #tpu.memory_space<hbm>> -> memref<80xi32, #tpu.memory_space<hbm>>
        tpu.enqueue_dma source(%dma_start3A_348 : memref<80xi32, #tpu.memory_space<hbm>>) target(%dma_start3A_347 : memref<80xi32, #tpu.memory_space<vmem>>) target_semaphore(%dma_start3A_344 : memref<!tpu.dma_semaphore, #tpu.memory_space<semaphore_mem>>)
      } else {
      }
      %add3A_306 = arith.constant 4 : i32
      %add3A_307 = arith.addi %scan3A_253, %add3A_306 : i32
      %sub3A = arith.constant 1 : i32
      %sub3A_308 = arith.subi %add3A_307, %sub3A : i32
      %lt3A_309 = arith.constant 125 : i32
      %lt3A_310 = arith.cmpi slt, %sub3A_308, %lt3A_309 : i32
      %convert_element_type3A_311 = arith.extui %lt3A_310 : i1 to i32
      %cond3A_312 = arith.constant 0 : i32
      %cond3A_313 = arith.cmpi ne, %convert_element_type3A_311, %cond3A_312 : i32
      scf.if %cond3A_313 {
        %rem3A_315 = arith.constant 5 : i32
        %rem3A_316 = arith.remsi %sub3A_308, %rem3A_315 : i32
        %dma_wait3A_317 = arith.constant 0 : i32
        %dma_wait3A_318 = tpu.memref_slice %arg6[%rem3A_316, %dma_wait3A_317] : memref<5x80xi32, #tpu.memory_space<vmem>> -> memref<1x80xi32, #tpu.memory_space<vmem>>
        %dma_wait3A_319 = tpu.memref_squeeze %dma_wait3A_318 : memref<1x80xi32, #tpu.memory_space<vmem>> -> memref<80xi32, #tpu.memory_space<vmem>>
        %dma_wait3A_320 = arith.constant 0 : i32
        %dma_wait3A_321 = tpu.memref_slice %arg3[%dma_wait3A_320] : memref<640000xi32, #tpu.memory_space<hbm>> -> memref<80xi32, #tpu.memory_space<hbm>>
        %dma_wait3A_322 = tpu.memref_slice %arg11[%rem3A_316] : memref<5x!tpu.dma_semaphore, #tpu.memory_space<semaphore_mem>> -> memref<1x!tpu.dma_semaphore, #tpu.memory_space<semaphore_mem>>
        %dma_wait3A_323 = tpu.memref_squeeze %dma_wait3A_322 : memref<1x!tpu.dma_semaphore, #tpu.memory_space<semaphore_mem>> -> memref<!tpu.dma_semaphore, #tpu.memory_space<semaphore_mem>>
        %dma_wait3A_324 = arith.constant 0 : i32
        %dma_wait3A_325 = tpu.memref_slice %arg6[%rem3A_316, %dma_wait3A_324] : memref<5x80xi32, #tpu.memory_space<vmem>> -> memref<1x80xi32, #tpu.memory_space<vmem>>
        %dma_wait3A_326 = tpu.memref_squeeze %dma_wait3A_325 : memref<1x80xi32, #tpu.memory_space<vmem>> -> memref<80xi32, #tpu.memory_space<vmem>>
        %dma_wait3A_327 = arith.constant 0 : i32
        %dma_wait3A_328 = tpu.memref_slice %arg3[%dma_wait3A_327] : memref<640000xi32, #tpu.memory_space<hbm>> -> memref<80xi32, #tpu.memory_space<hbm>>
        tpu.wait_dma2 semaphore(%dma_wait3A_323 : memref<!tpu.dma_semaphore, #tpu.memory_space<semaphore_mem>>) src(%dma_wait3A_328 : memref<80xi32, #tpu.memory_space<hbm>>) dst(%dma_wait3A_326 : memref<80xi32, #tpu.memory_space<vmem>>)
        %rem3A_329 = arith.constant 4 : i32
        %rem3A_330 = arith.remsi %sub3A_308, %rem3A_329 : i32
        %dma_start3A_331 = arith.constant 0 : i32
        %dma_start3A_332 = arith.constant 0 : i32
        %dma_start3A_333 = tpu.memref_slice %arg8[%rem3A_330, %dma_start3A_331, %dma_start3A_332] : memref<4x80x128xf32, #tpu.memory_space<vmem>> -> memref<1x80x128xf32, #tpu.memory_space<vmem>>
        %dma_start3A_334 = tpu.memref_squeeze %dma_start3A_333 : memref<1x80x128xf32, #tpu.memory_space<vmem>> -> memref<80x128xf32, #tpu.memory_space<vmem>>
        %dma_start3A_335 = arith.constant 0 : i32
        %dma_start3A_336 = tpu.memref_slice %arg6[%rem3A_316, %dma_start3A_335] : memref<5x80xi32, #tpu.memory_space<vmem>> -> memref<1x80xi32, #tpu.memory_space<vmem>>
        %dma_start3A_337 = tpu.memref_squeeze %dma_start3A_336 : memref<1x80xi32, #tpu.memory_space<vmem>> -> memref<80xi32, #tpu.memory_space<vmem>>
        %dma_start3A_338 = arith.constant 0 : i32
        %dma_start3A_339 = arith.constant 0 : i32
        %dma_start3A_340 = tpu.memref_slice %arg2[%dma_start3A_338, %dma_start3A_339] : memref<10000x128xf32, #tpu.memory_space<hbm>> -> memref<10000x128xf32, #tpu.memory_space<hbm>>
        %dma_start3A_341 = tpu.memref_slice %arg9[%rem3A_330] : memref<4x!tpu.dma_semaphore, #tpu.memory_space<semaphore_mem>> -> memref<1x!tpu.dma_semaphore, #tpu.memory_space<semaphore_mem>>
        %dma_start3A_342 = tpu.memref_squeeze %dma_start3A_341 : memref<1x!tpu.dma_semaphore, #tpu.memory_space<semaphore_mem>> -> memref<!tpu.dma_semaphore, #tpu.memory_space<semaphore_mem>>
        tpu.enqueue_indirect_dma source(%dma_start3A_340 : memref<10000x128xf32, #tpu.memory_space<hbm>>) target(%dma_start3A_334 : memref<80x128xf32, #tpu.memory_space<vmem>>) offsets(%dma_start3A_337 : memref<80xi32, #tpu.memory_space<vmem>>) semaphore(%dma_start3A_342 : memref<!tpu.dma_semaphore, #tpu.memory_space<semaphore_mem>>)
      } else {
      }
      %scan3A_314 = arith.constant 0 : i32
      scf.yield %scan3A_314 : i32
    }
    %scan3A_229 = arith.constant 125 : i32
    %dma_wait3A_230 = arith.constant 0 : i32
    %dma_wait3A_231 = arith.constant 0 : i32
    %dma_wait3A_232 = arith.constant 0 : i32
    %dma_wait3A_233 = arith.constant 0 : i32
    %dma_wait3A_234 = tpu.memref_slice %arg8[%dma_wait3A_230, %dma_wait3A_232, %dma_wait3A_233] : memref<4x80x128xf32, #tpu.memory_space<vmem>> -> memref<1x80x128xf32, #tpu.memory_space<vmem>>
    %dma_wait3A_235 = tpu.memref_squeeze %dma_wait3A_234 : memref<1x80x128xf32, #tpu.memory_space<vmem>> -> memref<80x128xf32, #tpu.memory_space<vmem>>
    %dma_wait3A_236 = arith.constant 0 : i32
    %dma_wait3A_237 = arith.constant 0 : i32
    %dma_wait3A_238 = tpu.memref_slice %arg2[%dma_wait3A_236, %dma_wait3A_237] : memref<10000x128xf32, #tpu.memory_space<hbm>> -> memref<80x128xf32, #tpu.memory_space<hbm>>
    %dma_wait3A_239 = tpu.memref_slice %arg10[%dma_wait3A_231] : memref<4x!tpu.dma_semaphore, #tpu.memory_space<semaphore_mem>> -> memref<1x!tpu.dma_semaphore, #tpu.memory_space<semaphore_mem>>
    %dma_wait3A_240 = tpu.memref_squeeze %dma_wait3A_239 : memref<1x!tpu.dma_semaphore, #tpu.memory_space<semaphore_mem>> -> memref<!tpu.dma_semaphore, #tpu.memory_space<semaphore_mem>>
    %dma_wait3A_241 = arith.constant 0 : i32
    %dma_wait3A_242 = arith.constant 0 : i32
    %dma_wait3A_243 = tpu.memref_slice %arg8[%dma_wait3A_230, %dma_wait3A_241, %dma_wait3A_242] : memref<4x80x128xf32, #tpu.memory_space<vmem>> -> memref<1x80x128xf32, #tpu.memory_space<vmem>>
    %dma_wait3A_244 = tpu.memref_squeeze %dma_wait3A_243 : memref<1x80x128xf32, #tpu.memory_space<vmem>> -> memref<80x128xf32, #tpu.memory_space<vmem>>
    %dma_wait3A_245 = arith.constant 0 : i32
    %dma_wait3A_246 = arith.constant 0 : i32
    %dma_wait3A_247 = tpu.memref_slice %arg2[%dma_wait3A_245, %dma_wait3A_246] : memref<10000x128xf32, #tpu.memory_space<hbm>> -> memref<80x128xf32, #tpu.memory_space<hbm>>
    tpu.wait_dma2 semaphore(%dma_wait3A_240 : memref<!tpu.dma_semaphore, #tpu.memory_space<semaphore_mem>>) src(%dma_wait3A_247 : memref<80x128xf32, #tpu.memory_space<hbm>>) dst(%dma_wait3A_244 : memref<80x128xf32, #tpu.memory_space<vmem>>)
    %barrier3A_248 = arith.constant 0 : index
    tpu.barrier barrier_id(%barrier3A_248)
    %mul3A_249 = arith.constant 640 : i32
    %mul3A_250 = arith.muli %arg1, %mul3A_249 : i32
    %mul3A_251 = arith.constant 640 : i32
    %mul3A_252 = arith.muli %arg1, %mul3A_251 : i32
    "tpu.region"() ({
      %run_scoped3A = tpu.sem_alloc : memref<!tpu.dma_semaphore, #tpu.memory_space<semaphore_mem>>
      %dma_start3A_253 = arith.constant 0 : i32
      %dma_start3A_254 = tpu.memref_slice %arg5[%arg0, %mul3A_252, %dma_start3A_253] : memref<2x10240x128xf32, #tpu.memory_space<hbm>> -> memref<1x640x128xf32, #tpu.memory_space<hbm>>
      %dma_start3A_255 = tpu.memref_squeeze %dma_start3A_254 : memref<1x640x128xf32, #tpu.memory_space<hbm>> -> memref<640x128xf32, #tpu.memory_space<hbm>>
      %dma_start3A_256 = arith.constant 0 : i32
      %dma_start3A_257 = tpu.memref_slice %arg13[%mul3A_250, %dma_start3A_256] : memref<10240x128xf32, #tpu.memory_space<vmem_shared>> -> memref<640x128xf32, #tpu.memory_space<vmem_shared>>
      tpu.enqueue_dma source(%dma_start3A_257 : memref<640x128xf32, #tpu.memory_space<vmem_shared>>) target(%dma_start3A_255 : memref<640x128xf32, #tpu.memory_space<hbm>>) target_semaphore(%run_scoped3A : memref<!tpu.dma_semaphore, #tpu.memory_space<semaphore_mem>>)
      %dma_wait3A_258 = arith.constant 0 : i32
      %dma_wait3A_259 = tpu.memref_slice %arg5[%arg0, %mul3A_252, %dma_wait3A_258] : memref<2x10240x128xf32, #tpu.memory_space<hbm>> -> memref<1x640x128xf32, #tpu.memory_space<hbm>>
      %dma_wait3A_260 = tpu.memref_squeeze %dma_wait3A_259 : memref<1x640x128xf32, #tpu.memory_space<hbm>> -> memref<640x128xf32, #tpu.memory_space<hbm>>
      %dma_wait3A_261 = arith.constant 0 : i32
      %dma_wait3A_262 = tpu.memref_slice %arg13[%mul3A_250, %dma_wait3A_261] : memref<10240x128xf32, #tpu.memory_space<vmem_shared>> -> memref<640x128xf32, #tpu.memory_space<vmem_shared>>
      tpu.wait_dma2 semaphore(%run_scoped3A : memref<!tpu.dma_semaphore, #tpu.memory_space<semaphore_mem>>) src(%dma_wait3A_262 : memref<640x128xf32, #tpu.memory_space<vmem_shared>>) dst(%dma_wait3A_260 : memref<640x128xf32, #tpu.memory_space<hbm>>)
      tpu.yield
    }) : () -> ()
    return
  }
}

module attributes {stable_mosaic.version = 14 : i64} {
  func.func @_gru_body(%arg0: i32, %arg1: memref<2x2000x128xf32, #tpu.memory_space<vmem>>, %arg2: memref<2000x128xf32, #tpu.memory_space<vmem>>, %arg3: memref<128x128xf32, #tpu.memory_space<vmem>>, %arg4: memref<256x128xf32, #tpu.memory_space<vmem>>, %arg5: memref<256x128xf32, #tpu.memory_space<vmem>>, %arg6: memref<256x128xf32, #tpu.memory_space<vmem>>, %arg7: memref<128xf32, #tpu.memory_space<vmem>>, %arg8: memref<128xf32, #tpu.memory_space<vmem>>, %arg9: memref<128xf32, #tpu.memory_space<vmem>>, %arg10: memref<2000x128xf32, #tpu.memory_space<vmem>>) attributes {dimension_semantics = [#tpu.dimension_semantics<arbitrary>], iteration_bounds = array<i64: 5>, scalar_prefetch = 0 : i64, scratch_operands = 0 : i64, tpu.core_type = #tpu.core_type<tc>, window_params = [{transform_indices = @transform_0, window_bounds = array<i64: 2, 2000, 128>}, {transform_indices = @transform_1, window_bounds = array<i64: 2000, 128>}, {pipeline_mode = #tpu.pipeline_mode<synchronous>, transform_indices = @transform_2, window_bounds = array<i64: 128, 128>}, {pipeline_mode = #tpu.pipeline_mode<synchronous>, transform_indices = @transform_3, window_bounds = array<i64: 256, 128>}, {pipeline_mode = #tpu.pipeline_mode<synchronous>, transform_indices = @transform_4, window_bounds = array<i64: 256, 128>}, {pipeline_mode = #tpu.pipeline_mode<synchronous>, transform_indices = @transform_5, window_bounds = array<i64: 256, 128>}, {pipeline_mode = #tpu.pipeline_mode<synchronous>, transform_indices = @transform_6, window_bounds = array<i64: 128>}, {pipeline_mode = #tpu.pipeline_mode<synchronous>, transform_indices = @transform_7, window_bounds = array<i64: 128>}, {pipeline_mode = #tpu.pipeline_mode<synchronous>, transform_indices = @transform_8, window_bounds = array<i64: 128>}, {transform_indices = @transform_9, window_bounds = array<i64: 2000, 128>}]} {
    %get3A = arith.constant 0 : index
    %get3A_0 = arith.constant 0 : index
    %get3A_1 = arith.constant 0 : index
    %get3A_2 = vector.load %arg1[%get3A, %get3A_0, %get3A_1] : memref<2x2000x128xf32, #tpu.memory_space<vmem>>, vector<1x2000x128xf32>
    %get3A_3 = vector.shape_cast %get3A_2 : vector<1x2000x128xf32> to vector<2000x128xf32>
    %get3A_4 = arith.constant 1 : index
    %get3A_5 = arith.constant 0 : index
    %get3A_6 = arith.constant 0 : index
    %get3A_7 = vector.load %arg1[%get3A_4, %get3A_5, %get3A_6] : memref<2x2000x128xf32, #tpu.memory_space<vmem>>, vector<1x2000x128xf32>
    %get3A_8 = vector.shape_cast %get3A_7 : vector<1x2000x128xf32> to vector<2000x128xf32>
    %add3A = arith.addf %get3A_3, %get3A_8 : vector<2000x128xf32>
    %get3A_9 = arith.constant 0 : index
    %get3A_10 = arith.constant 0 : index
    %get3A_11 = vector.load %arg2[%get3A_9, %get3A_10] : memref<2000x128xf32, #tpu.memory_space<vmem>>, vector<2000x128xf32>
    %get3A_12 = arith.constant 0 : index
    %get3A_13 = arith.constant 0 : index
    %get3A_14 = vector.load %arg3[%get3A_12, %get3A_13] : memref<128x128xf32, #tpu.memory_space<vmem>>, vector<128x128xf32>
    %dot_general3A = arith.constant dense<0.000000e+00> : vector<2000x128xf32>
    %dot_general3A_15 = tpu.matmul %add3A, %get3A_14, %dot_general3A {dimension_numbers = #tpu.dot_dimension_numbers<[1], [0], [0], [1], [0, 0, 1, 1], [], []>, transpose_lhs_hint = false} : vector<2000x128xf32>, vector<128x128xf32>, vector<2000x128xf32> -> vector<2000x128xf32>
    %get3A_16 = arith.constant 0 : index
    %get3A_17 = arith.constant 0 : index
    %get3A_18 = vector.load %arg4[%get3A_16, %get3A_17] : memref<256x128xf32, #tpu.memory_space<vmem>>, vector<128x128xf32>
    %dot_general3A_19 = arith.constant dense<0.000000e+00> : vector<2000x128xf32>
    %dot_general3A_20 = tpu.matmul %dot_general3A_15, %get3A_18, %dot_general3A_19 {dimension_numbers = #tpu.dot_dimension_numbers<[1], [0], [0], [1], [0, 0, 1, 1], [], []>, transpose_lhs_hint = false} : vector<2000x128xf32>, vector<128x128xf32>, vector<2000x128xf32> -> vector<2000x128xf32>
    %get3A_21 = arith.constant 128 : index
    %get3A_22 = arith.constant 0 : index
    %get3A_23 = vector.load %arg4[%get3A_21, %get3A_22] : memref<256x128xf32, #tpu.memory_space<vmem>>, vector<128x128xf32>
    %dot_general3A_24 = arith.constant dense<0.000000e+00> : vector<2000x128xf32>
    %dot_general3A_25 = tpu.matmul %get3A_11, %get3A_23, %dot_general3A_24 {dimension_numbers = #tpu.dot_dimension_numbers<[1], [0], [0], [1], [0, 0, 1, 1], [], []>, transpose_lhs_hint = false} : vector<2000x128xf32>, vector<128x128xf32>, vector<2000x128xf32> -> vector<2000x128xf32>
    %add3A_26 = arith.addf %dot_general3A_20, %dot_general3A_25 : vector<2000x128xf32>
    %get3A_27 = arith.constant 0 : index
    %get3A_28 = vector.load %arg7[%get3A_27] : memref<128xf32, #tpu.memory_space<vmem>>, vector<128xf32>
    %reshape3A = vector.shape_cast %get3A_28 : vector<128xf32> to vector<1x128xf32>
    %add3A_29 = vector.broadcast %reshape3A : vector<1x128xf32> to vector<2000x128xf32>
    %add3A_30 = arith.addf %add3A_26, %add3A_29 : vector<2000x128xf32>
    %logistic3A = arith.negf %add3A_30 : vector<2000x128xf32>
    %logistic3A_31 = math.exp %logistic3A : vector<2000x128xf32>
    %logistic3A_32 = arith.constant 1.000000e+00 : f32
    %logistic3A_33 = vector.broadcast %logistic3A_32 : f32 to vector<2000x128xf32>
    %logistic3A_34 = arith.addf %logistic3A_33, %logistic3A_31 : vector<2000x128xf32>
    %logistic3A_35 = arith.divf %logistic3A_33, %logistic3A_34 : vector<2000x128xf32>
    %get3A_36 = arith.constant 0 : index
    %get3A_37 = arith.constant 0 : index
    %get3A_38 = vector.load %arg5[%get3A_36, %get3A_37] : memref<256x128xf32, #tpu.memory_space<vmem>>, vector<128x128xf32>
    %dot_general3A_39 = arith.constant dense<0.000000e+00> : vector<2000x128xf32>
    %dot_general3A_40 = tpu.matmul %dot_general3A_15, %get3A_38, %dot_general3A_39 {dimension_numbers = #tpu.dot_dimension_numbers<[1], [0], [0], [1], [0, 0, 1, 1], [], []>, transpose_lhs_hint = false} : vector<2000x128xf32>, vector<128x128xf32>, vector<2000x128xf32> -> vector<2000x128xf32>
    %get3A_41 = arith.constant 128 : index
    %get3A_42 = arith.constant 0 : index
    %get3A_43 = vector.load %arg5[%get3A_41, %get3A_42] : memref<256x128xf32, #tpu.memory_space<vmem>>, vector<128x128xf32>
    %dot_general3A_44 = arith.constant dense<0.000000e+00> : vector<2000x128xf32>
    %dot_general3A_45 = tpu.matmul %get3A_11, %get3A_43, %dot_general3A_44 {dimension_numbers = #tpu.dot_dimension_numbers<[1], [0], [0], [1], [0, 0, 1, 1], [], []>, transpose_lhs_hint = false} : vector<2000x128xf32>, vector<128x128xf32>, vector<2000x128xf32> -> vector<2000x128xf32>
    %add3A_46 = arith.addf %dot_general3A_40, %dot_general3A_45 : vector<2000x128xf32>
    %get3A_47 = arith.constant 0 : index
    %get3A_48 = vector.load %arg8[%get3A_47] : memref<128xf32, #tpu.memory_space<vmem>>, vector<128xf32>
    %reshape3A_49 = vector.shape_cast %get3A_48 : vector<128xf32> to vector<1x128xf32>
    %add3A_50 = vector.broadcast %reshape3A_49 : vector<1x128xf32> to vector<2000x128xf32>
    %add3A_51 = arith.addf %add3A_46, %add3A_50 : vector<2000x128xf32>
    %logistic3A_52 = arith.negf %add3A_51 : vector<2000x128xf32>
    %logistic3A_53 = math.exp %logistic3A_52 : vector<2000x128xf32>
    %logistic3A_54 = arith.constant 1.000000e+00 : f32
    %logistic3A_55 = vector.broadcast %logistic3A_54 : f32 to vector<2000x128xf32>
    %logistic3A_56 = arith.addf %logistic3A_55, %logistic3A_53 : vector<2000x128xf32>
    %logistic3A_57 = arith.divf %logistic3A_55, %logistic3A_56 : vector<2000x128xf32>
    %get3A_58 = arith.constant 0 : index
    %get3A_59 = arith.constant 0 : index
    %get3A_60 = vector.load %arg6[%get3A_58, %get3A_59] : memref<256x128xf32, #tpu.memory_space<vmem>>, vector<128x128xf32>
    %dot_general3A_61 = arith.constant dense<0.000000e+00> : vector<2000x128xf32>
    %dot_general3A_62 = tpu.matmul %dot_general3A_15, %get3A_60, %dot_general3A_61 {dimension_numbers = #tpu.dot_dimension_numbers<[1], [0], [0], [1], [0, 0, 1, 1], [], []>, transpose_lhs_hint = false} : vector<2000x128xf32>, vector<128x128xf32>, vector<2000x128xf32> -> vector<2000x128xf32>
    %mul3A = arith.mulf %logistic3A_57, %get3A_11 : vector<2000x128xf32>
    %get3A_63 = arith.constant 128 : index
    %get3A_64 = arith.constant 0 : index
    %get3A_65 = vector.load %arg6[%get3A_63, %get3A_64] : memref<256x128xf32, #tpu.memory_space<vmem>>, vector<128x128xf32>
    %dot_general3A_66 = arith.constant dense<0.000000e+00> : vector<2000x128xf32>
    %dot_general3A_67 = tpu.matmul %mul3A, %get3A_65, %dot_general3A_66 {dimension_numbers = #tpu.dot_dimension_numbers<[1], [0], [0], [1], [0, 0, 1, 1], [], []>, transpose_lhs_hint = false} : vector<2000x128xf32>, vector<128x128xf32>, vector<2000x128xf32> -> vector<2000x128xf32>
    %add3A_68 = arith.addf %dot_general3A_62, %dot_general3A_67 : vector<2000x128xf32>
    %get3A_69 = arith.constant 0 : index
    %get3A_70 = vector.load %arg9[%get3A_69] : memref<128xf32, #tpu.memory_space<vmem>>, vector<128xf32>
    %reshape3A_71 = vector.shape_cast %get3A_70 : vector<128xf32> to vector<1x128xf32>
    %add3A_72 = vector.broadcast %reshape3A_71 : vector<1x128xf32> to vector<2000x128xf32>
    %add3A_73 = arith.addf %add3A_68, %add3A_72 : vector<2000x128xf32>
    %tanh3A = math.tanh %add3A_73 : vector<2000x128xf32>
    %sub3A = arith.constant 1.000000e+00 : f32
    %sub3A_74 = vector.broadcast %sub3A : f32 to vector<2000x128xf32>
    %sub3A_75 = arith.subf %sub3A_74, %logistic3A_35 : vector<2000x128xf32>
    %mul3A_76 = arith.mulf %sub3A_75, %get3A_11 : vector<2000x128xf32>
    %mul3A_77 = arith.mulf %logistic3A_35, %tanh3A : vector<2000x128xf32>
    %add3A_78 = arith.addf %mul3A_76, %mul3A_77 : vector<2000x128xf32>
    %swap3A = arith.constant 0 : index
    %swap3A_79 = arith.constant 0 : index
    %swap3A_80 = vector.load %arg10[%swap3A, %swap3A_79] : memref<2000x128xf32, #tpu.memory_space<vmem>>, vector<2000x128xf32>
    tpu.vector_store %arg10[%swap3A, %swap3A_79], %add3A_78 {strides = array<i32>} : memref<2000x128xf32, #tpu.memory_space<vmem>>, vector<2000x128xf32>,
    return
  }
  func.func @transform_0(%arg0: i32) -> (i32, i32, i32) {
    %c0_i32 = arith.constant 0 : i32
    %c0_i32_0 = arith.constant 0 : i32
    %c0_i32_1 = arith.constant 0 : i32
    return %c0_i32, %arg0, %c0_i32_0 : i32, i32, i32
  }
  func.func @transform_1(%arg0: i32) -> (i32, i32) {
    %c0_i32 = arith.constant 0 : i32
    %c0_i32_0 = arith.constant 0 : i32
    return %arg0, %c0_i32 : i32, i32
  }
  func.func @transform_2(%arg0: i32) -> (i32, i32) {
    %c0_i32 = arith.constant 0 : i32
    %c0_i32_0 = arith.constant 0 : i32
    %c0_i32_1 = arith.constant 0 : i32
    return %c0_i32, %c0_i32_0 : i32, i32
  }
  func.func @transform_3(%arg0: i32) -> (i32, i32) {
    %c0_i32 = arith.constant 0 : i32
    %c0_i32_0 = arith.constant 0 : i32
    %c0_i32_1 = arith.constant 0 : i32
    return %c0_i32, %c0_i32_0 : i32, i32
  }
  func.func @transform_4(%arg0: i32) -> (i32, i32) {
    %c0_i32 = arith.constant 0 : i32
    %c0_i32_0 = arith.constant 0 : i32
    %c0_i32_1 = arith.constant 0 : i32
    return %c0_i32, %c0_i32_0 : i32, i32
  }
  func.func @transform_5(%arg0: i32) -> (i32, i32) {
    %c0_i32 = arith.constant 0 : i32
    %c0_i32_0 = arith.constant 0 : i32
    %c0_i32_1 = arith.constant 0 : i32
    return %c0_i32, %c0_i32_0 : i32, i32
  }
  func.func @transform_6(%arg0: i32) -> i32 {
    %c0_i32 = arith.constant 0 : i32
    %c0_i32_0 = arith.constant 0 : i32
    return %c0_i32 : i32
  }
  func.func @transform_7(%arg0: i32) -> i32 {
    %c0_i32 = arith.constant 0 : i32
    %c0_i32_0 = arith.constant 0 : i32
    return %c0_i32 : i32
  }
  func.func @transform_8(%arg0: i32) -> i32 {
    %c0_i32 = arith.constant 0 : i32
    %c0_i32_0 = arith.constant 0 : i32
    return %c0_i32 : i32
  }
  func.func @transform_9(%arg0: i32) -> (i32, i32) {
    %c0_i32 = arith.constant 0 : i32
    %c0_i32_0 = arith.constant 0 : i32
    return %arg0, %c0_i32 : i32, i32
  }
}

</mosaic_0001>

<sc_bundles>
// kernel: kernel.4.cloned.1.call-start
scs
__scs_entry_jumppad:
0x0: {  	(pc) =	sbr.rel $0x88, $3  }
0x1: {  	(tag) =	ssettag $0x0;
	lr =	simm.s32 $0x1  }
0x2: {  	[smem:$0x3F97] =	sst lr;
	_ =	strace $0xD0000000  }
0x3: {  	_ = 	snop  }
0x4: {  	_ = 	snop  }
0x5: {  	_ = 	snop  }
0x6: {  	_ = 	snop  }
0x7: {  	_ = 	snop  }
__scs_overlays_trampoline_lowered:
0x8: {  	[smem:$0x3FA6] =	sst s0  }
0x9: {  	[smem:$0x3FA7] =	sst s1  }
0xa: {  	[smem:$0x3FA8] =	sst s2  }
0xb: {  	[smem:$0x3FA9] =	sst s3  }
0xc: {  	[smem:$0x3FAA] =	sst s4  }
0xd: {  	[smem:$0x3FAB] =	sst s5  }
0xe: {  	[smem:$0x3FAC] =	sst s6  }
0xf: {  	[smem:$0x3FAD] =	sst s7  }
0x10: {  	[smem:$0x3FAE] =	sst s8  }
0x11: {  	[smem:$0x3FAF] =	sst s9;
	s0 =	simm.s32 @!p0 $0x0  }
0x12: {  	s1 =	sld [smem:$0x3F95];
	s0 =	simm.s32 @p0 $0x1  }
0x13: {  	[smem:$0x3FB0] =	sst s0;
	s0 =	simm.s32 @!p1 $0x0  }
0x14: {  	s2 =	sld [smem:$0x3F94];
	s0 =	simm.s32 @p1 $0x1  }
0x15: {  	[smem:$0x3FB1] =	sst s0;
	s0 =	simm.s32 @!p2 $0x0  }
0x16: {  	s3 =	sld [smem:$0x3FDB];
	s0 =	simm.s32 @p2 $0x1  }
0x17: {  	s4 =	simm.s32 $0x1BF5;
	[smem:$0x3FB3] =	sst s0  }
0x18: {  	s0 =	sld [smem:$0x3F96];
	_ =	swait.ge [sflag:s4], $0x0  }
0x19: {  	s7 =	sld [smem:$0x3F97]  }
0x1a: {  	s8 =	sadd.s32 $0xFFFFE003, lr  }
0x1b: {  	s9 =	sadd.s32 $0xFFFFFEF7, lr;
	s5 =	simm.s32 $0xFFFFFFFF;
	p2 =	slt.u32 s8, $0xFFFFF086  }
0x1c: {  	p1 =	slt.u32 s9, $0xF7A;
	s5 =	simm.s32 @!p2 $0x0  }
0x1d: {  	s5 =	simm.s32 @p1 $0x1;
	p0 =	seq.s32 s7, s2  }
0x1e: {  	s7 =	smul.u32 @!p0 $0xF7A, s2;
	p2 =	seq.s32 @!p0 s5, $0x0  }
0x1f: {  	s9 =	smul.u32 $0xF7A, s1;
	s8 =	simm.s32 @!p0 $0x1BF5;
	p2 =	por !p2, p0  }
0x20: {  	[sflag:s8] =	ssyncset.s32 @!p0 $0xFFFFF086;
	s6 =	sadd.s32 @!p0 s3, s7;
	s7 =	simm.s32 @!p0 $0x108  }
0x21: {  	s3 =	sadd.s32 s3, s9;
	s6 =	sadd.s32 @!p0 $0x88, s6;
	s7 =	simm.s32 @p2 $0x1082  }
0x22: {  	[simem:s7], [sflag:s8] =	dma.local @!p0 [hbm:s6], $0xF7A  }
0x23: {  	s9 =	sor.u32 $0xD0000000, s2;
	s6 =	simm.s32 $0x108;
	_ =	swait.ge @!p0 [sflag:s8], $0x0  }
0x24: {  	s3 =	sadd.s32 $0x88, s3;
	s6 =	simm.s32 @!p1 $0x1082;
	[sflag:s4] =	ssyncset.s32 $0xFFFFF086  }
0x25: {  	[simem:s6], [sflag:s4] =	dma.local [hbm:s3], $0xF7A  }
0x26: {  	[smem:$0x3F97] =	sst s1;
	(tag) =	ssettag s2;
	_ =	strace s9  }
0x27: {  	s1 =	sld [smem:$0x3FA7]  }
0x28: {  	s2 =	sld [smem:$0x3FA8]  }
0x29: {  	s4 =	sld [smem:$0x3FAA]  }
0x2a: {  	p0 =	seq.s32 s5, $0x0;
	s5 =	sld [smem:$0x3FAB]  }
0x2b: {  	s6 =	sld [smem:$0x3FAC]  }
0x2c: {  	s7 =	sld [smem:$0x3FAD]  }
0x2d: {  	s3 =	simm.s32 $0x108;
	s8 =	sld [smem:$0x3FAE]  }
0x2e: {  	s3 =	simm.s32 @!p0 $0x1082;
	s9 =	sld [smem:$0x3FAF]  }
0x2f: {  	lr =	sadd.s32 s0, s3;
	s0 =	sld [smem:$0x3FA6]  }
0x30: {  	s3 =	sld [smem:$0x3FA9]  }
0x31: {  	[smem:$0x3FB2] =	sst s10  }
0x32: {  	s10 =	sld [smem:$0x3FB0];
	_ =	sdelay $0x3  }
0x33: {  	p0 =	seq.s32 s10, $0x1;
	s10 =	sld [smem:$0x3FB2];
	_ =	sdelay $0x3  }
0x34: {  	[smem:$0x3FB2] =	sst s10  }
0x35: {  	s10 =	sld [smem:$0x3FB1];
	_ =	sdelay $0x3  }
0x36: {  	p1 =	seq.s32 s10, $0x1;
	s10 =	sld [smem:$0x3FB2];
	_ =	sdelay $0x3  }
0x37: {  	[smem:$0x3FB2] =	sst s10  }
0x38: {  	s10 =	sld [smem:$0x3FB3]  }
0x39: {  	_ = 	snop;
	(pc) =	sbr.ind lr, $3  }
0x3a: {  	_ = 	snop  }
0x3b: {  	_ = 	snop  }
0x3c: {  	p2 =	seq.s32 s10, $0x1;
	s10 =	sld [smem:$0x3FB2]  }
0x3d: {  	_ =	shalt  }
0x3e: {  	_ =	shalt  }
0x3f: {  	_ =	shalt  }
0x40: {  	_ =	shalt  }
0x41: {  	_ =	shalt  }
0x42: {  	_ =	shalt  }
0x43: {  	_ =	shalt  }
0x44: {  	_ =	shalt  }
0x45: {  	_ =	shalt  }
0x46: {  	_ =	shalt  }
0x47: {  	_ =	shalt  }
0x48: {  	_ =	shalt  }
0x49: {  	_ =	shalt  }
0x4a: {  	_ =	shalt  }
0x4b: {  	_ =	shalt  }
0x4c: {  	_ =	shalt  }
0x4d: {  	_ =	shalt  }
0x4e: {  	_ =	shalt  }
0x4f: {  	_ =	shalt  }
0x50: {  	_ =	shalt  }
0x51: {  	_ =	shalt  }
0x52: {  	_ =	shalt  }
0x53: {  	_ =	shalt  }
0x54: {  	_ =	shalt  }
0x55: {  	_ =	shalt  }
0x56: {  	_ =	shalt  }
0x57: {  	_ =	shalt  }
0x58: {  	_ =	shalt  }
0x59: {  	_ =	shalt  }
0x5a: {  	_ =	shalt  }
0x5b: {  	_ =	shalt  }
0x5c: {  	_ =	shalt  }
0x5d: {  	_ =	shalt  }
0x5e: {  	_ =	shalt  }
0x5f: {  	_ =	shalt  }
0x60: {  	_ =	shalt  }
0x61: {  	_ =	shalt  }
0x62: {  	_ =	shalt  }
0x63: {  	_ =	shalt  }
0x64: {  	_ =	shalt  }
0x65: {  	_ =	shalt  }
0x66: {  	_ =	shalt  }
0x67: {  	_ =	shalt  }
0x68: {  	_ =	shalt  }
0x69: {  	_ =	shalt  }
0x6a: {  	_ =	shalt  }
0x6b: {  	_ =	shalt  }
0x6c: {  	_ =	shalt  }
0x6d: {  	_ =	shalt  }
0x6e: {  	_ =	shalt  }
0x6f: {  	_ =	shalt  }
0x70: {  	_ =	shalt  }
0x71: {  	_ =	shalt  }
0x72: {  	_ =	shalt  }
0x73: {  	_ =	shalt  }
0x74: {  	_ =	shalt  }
0x75: {  	_ =	shalt  }
0x76: {  	_ =	shalt  }
0x77: {  	_ =	shalt  }
0x78: {  	_ =	shalt  }
0x79: {  	_ =	shalt  }
0x7a: {  	_ =	shalt  }
0x7b: {  	_ =	shalt  }
0x7c: {  	_ =	shalt  }
0x7d: {  	_ =	shalt  }
0x7e: {  	_ =	shalt  }
0x7f: {  	_ =	shalt  }
0x80: {  	_ =	shalt  }
0x81: {  	_ =	shalt  }
0x82: {  	_ =	shalt  }
0x83: {  	_ =	shalt  }
0x84: {  	_ =	shalt  }
0x85: {  	_ =	shalt  }
0x86: {  	_ =	shalt  }
0x87: {  	_ =	shalt  }
.Lfunc_end0:
.L_simem_size_0:
called_computation_lowered:
.L_overlay_start_0:
0x88: {  	s2 =	sld [smem:$0x3FD9]  }
0x89: {  	s3 =	sld [smem:$0x3FFE];
	_ =	sdelay $0x1  }
0x8a: {  	s1 =	srdreg.scid  }
0x8b: {  	s0 =	sand.u32 $0x1, s1  }
0x8c: {  	s17 =	sshll.u32 s0, $0xA;
	s2 =	sadd.s32 s3, s2  }
0x8d: {  	s2 =	sadd.s32 s2, s17  }
0x8e: {  	[smem:$0x3FBE] =	sst s2  }
0x8f: {  	_ = 	snop  }
0x90: {  	s2 =	sld [smem:$0x3FC9]  }
0x91: {  	s18 =	sld [smem:$0x3FD0];
	(tm) =	ssettm $0x1  }
0x92: {  	s4 =	sld [smem:$0x3FFB];
	_ =	sdelay $0x3  }
0x93: {  	_ =	strace s4  }
0x94: {  	s4 =	sld [smem:$0x3FFC];
	_ =	sdelay $0x3  }
0x95: {  	_ =	strace s4  }
0x96: {  	s4 =	sld [smem:$0x3FFD];
	_ =	sdelay $0x3  }
0x97: {  	_ =	strace s4  }
0x98: {  	_ =	strace $0x8FFFFFFF  }
0x99: {  	s19 =	sld [smem:$0x3FDB];
	_ =	sdelay $0x1  }
0x9a: {  	s5 =	simm.s32 $_scs_section_size  }
0x9b: {  	s6 =	simm.s32 $_size__tile_overlayer_lowered;
	s7 =	simm.s32 $_tile_overlayer_lowered  }
0x9c: {  	s22 =	simm.s32 $0x1BFF;
	s21 =	sshll.u32 s7, $0x1;
	s4 =	sadd.s32 s5, s19  }
0x9d: {  	s8 =	simm.s32 $0x0;
	s20 =	sshll.u32 s6, $0x1;
	s6 =	sadd.s32 s21, s4  }
0x9e: {  	[timem:s8], [sflag:s22] =	dma.local [hbm:s6], s20  }
0x9f: {  	_ =	swait.ge [sflag:s22], s20  }
0xa0: {  	s5 =	ssub.s32 $0x0, s20;
	[sflag:s22] =	ssyncset.done $0x0  }
0xa1: {  	[sflag:s22] =	ssyncadd.s32 s5;
	_ =	sdelay $0x1  }
0xa2: {  	s23 =	simm.s32 $0x1B8B  }
0xa3: {  	_ =	swait.ge [sflag:s23], $0x1  }
0xa4: {  	[sflag:s23] =	ssyncset.done $0x0  }
0xa5: {  	s25 =	simm.s32 $0x1B8E;
	s24 =	sld [smem:$0x3FFE];
	[sflag:s23] =	ssyncadd.s32 $0xFFFFFFFF  }
0xa6: {  	s26 =	simm.s32 $execute0_lowered;
	[smem:$0x3FD2] =	sst s25  }
0xa7: {  	s6 =	sshll.u32 s26, $0x1;
	_ =	strace $0x80000046;
	[dreg:$0x1] =	wrdreg $0xFFFFFFFF  }
0xa8: {  	s28 =	simm.s32 $_size_execute0_lowered;
	s4 =	sadd.s32 s4, s6;
	[dreg:$0x0] =	wrdreg $0x0  }
0xa9: {  	s6 =	sshll.u32 s28, $0x1;
	[dreg:$0x2] =	wrdreg s4  }
0xaa: {  	[dreg:$0x3] =	wrdreg s6  }
0xab: {  	[dreg:$0x4] =	wrdreg $0xC0  }
0xac: {  	_ =	task [dreg:s8], $0x5FFFF  }
0xad: {  	[dreg:$0x1] =	wrdreg $0xFFFFFFFF  }
0xae: {  	[dreg:$0x0] =	wrdreg $0x60  }
0xaf: {  	[dreg:$0x2] =	wrdreg s2  }
0xb0: {  	[dreg:$0x3] =	wrdreg s18  }
0xb1: {  	[dreg:$0x4] =	wrdreg s24  }
0xb2: {  	[dreg:$0x5] =	wrdreg $0xA8000  }
0xb3: {  	[dreg:$0x6] =	wrdreg $0x9  }
0xb4: {  	_ =	task.clear_ibuf [dreg:s8], $0x7FFFF;
	_ =	strace $0x90000046  }
0xb5: {  	s29 =	simm.s32 $0x9;
	_ =	strace $0x80000048  }
0xb6: {  	_ =	swait.ge [sflag:s29], $0x1  }
0xb7: {  	[sflag:s29] =	ssyncadd.s32 $0xFFFFFFFF  }
0xb8: {  	_ =	strace $0x90000048  }
0xb9: {  	_ =	sfence  }
0xba: {  	s30 =	sld [smem:$0x0];
	_ =	sdelay $0x2  }
0xbb: {  	s31 =	sshll.u32 s1, $0xD;
	s1 =	sshrl.u32 s1, $0x2  }
0xbc: {  	s3 =	sand.u32 $0x4000, s31;
	s1 =	sadd.s32 s1, s30  }
0xbd: {  	s0 =	sor.u32 s3, s0;
	s1 =	sshll.u32 s1, $0x11  }
0xbe: {  	s0 =	sor.u32 s1, s0  }
0xbf: {  	s0 =	sadd.s32 $0x8F2B, s0  }
0xc0: {  	[sflag:s0] =	ssyncadd.remote.s32 $0x1  }
0xc1: {  	_ =	sfence.sel $0xFFFF  }
0xc2: {  	[dreg:$0x0] =	wrdreg $0xFFFFFFFF;
	(pc) =	sbr.abs _section_cstart, $3  }
0xc3: {  	[dreg:$0x1] =	wrdreg $0xFFFFFFFF  }
0xc4: {  	_ =	task.clear_ibuf [dreg:s8], $0x2FFFF;
	_ =	strace $0x9FFFFFFF  }
0xc5: {  	(tm) =	ssettm $0x7FFFFFFF  }
tec
execute0_lowered:
.L_overlay_start_1:
0x0: {  	(tag) =	ssettag $0x1  }
0x1: {  	s1 =	rddreg [dreg:$0x0]  }
0x2: {  	s0 =	rddreg [dreg:$0x1]  }
0x3: {  	s3 =	rddreg [dreg:$0x2]  }
0x4: {  	s2 =	rddreg [dreg:$0x3];
	s10 =	stileid.u32  }
0x5: {  	s4 =	srdreg.scid;
	s29 =	simm.s32 $0x9;
	s7 =	smul.u32 $0x14000, s10  }
0x6: {  	s30 =	simm.s32 $0x50;
	s5 =	sand.u32 $0x1, s4;
	s19 =	smul.u32 $0x50000, s10  }
0x7: {  	s4 =	simm.s32 $0x0;
	s8 =	sadd.s32 $0x1C00, s3;
	s14 =	smul.u32 $0x2710, s10  }
0x8: {  	s22 =	sshll.u32 s10, $0x6;
	s6 =	smul.u32 $0x140000, s5;
	[smem:$0x7FF] =	sst s4  }
0x9: {  	s17 =	sshll.u32 s5, $0x4;
	s9 =	ssub.s32 $0x2, s5;
	s5 =	smul.u32 $0x27100, s5  }
0xa: {  	_ =	strace $0x80000047;
	[dreg:$0x5] =	wrdreg s8;
	s18 =	sor.u32 s10, s17  }
0xb: {  	s20 =	sshrl.u32 s9, $0x1;
	s8 =	sshrl.u32 s19, $0x2;
	s6 =	sadd.s32 s7, s6  }
0xc: {  	s7 =	smul.u32 $0x2710, s18;
	s16 =	ssub.s32 s9, s20;
	s17 =	sadd.s32 s8, s2  }
0xd: {  	s5 =	sadd.s32 s14, s5;
	s20 =	simm.s32 $0x13;
	s6 =	sshrl.u32 s6, $0x3  }
0xe: {  	s18 =	sadd.s32 $0x4E340, s5;
	s5 =	sadd.s32 $0x140, s5;
	s16 =	smax.u32 s16, $0x1  }
0xf: {  	s19 =	sshrl.u32 s17, $0x3;
	s3 =	sadd.s32 s6, s3;
	s21 =	sshrl.u32 s7, $0x3  }
0x10: {  	s7 =	sor.u32 $0x1C13, s22;
	s26 =	sshrl.u32 s18, $0x3;
	s5 =	sshrl.u32 s5, $0x3  }
0x11: {  	s22 =	simm.s32 $0x80;
	s6 =	sadd.s32 s0, s21;
	s15 =	sadd.s32 $0x4400, s3  }
0x12: {  	s31 =	sadd.s32 s26, s0;
	s28 =	sadd.s32 s5, s0;
	s0 =	simm.s32 $0xA  }
.Ltmp0:
0x13: {  	s21 =	simm.s32 $0xB;
	s26 =	simm.s32 $0x0;
	(pc) =	sbr.rel .LBB2_1-.Ltmp0, $4  }
0x14: {  	s23 =	sadd.s32 $0x9C40, s6;
	s24 =	sadd.s32 $0xA, s6;
	s25 =	sadd.s32 $0x9C4A, s6  }
0x15: {  	s11 =	sadd.s32 $0x14, s6;
	s12 =	sadd.s32 $0x9C54, s6;
	[dreg:$0x6] =	wrdreg s23  }
0x16: {  	s13 =	sadd.s32 $0x1E, s6;
	s14 =	sadd.s32 $0x9C5E, s6;
	[dreg:$0x7] =	wrdreg s24  }
0x17: {  	[dreg:$0x8] =	wrdreg s25;
	s24 =	simm.s32 $0x100;
	s25 =	simm.s32 $0x5  }
.LBB2_8:
0x18: {  	_ =	swait.ge [sflag:s25], $0x2800  }
0x19: {  	s26 =	sadd.s32 $0x1, s26;
	[sflag:s25] =	ssyncset.done $0x0  }
0x1a: {  	p0 =	sne.s32 s26, s16;
	[sflag:s25] =	ssyncadd.s32 $0xFFFFD800  }
.Ltmp1:
0x1b: {  	[bflag:$0x0] =	sbarrier.arrive $0xFFFF;
	(pc) =	sbr.rel @!p0 .LBB2_9-.Ltmp1, $4  }
0x1c: {  	[hbm:s15], [sflag:s7] =	dma.local [spmem:s19], $0x2800  }
0x1d: {  	_ =	swait.ge [sflag:s20], $0x2800  }
0x1e: {  	[sflag:s20] =	ssyncset.done $0x0  }
0x1f: {  	[sflag:s20] =	ssyncadd.s32 $0xFFFFD800  }
.LBB2_1:
0x20: {  	s3 =	rddreg [dreg:$0x5]  }
0x21: {  	[spmem:s19], [sflag:s7] =	dma.local [hbm:s3], $0x2800  }
0x22: {  	_ =	swait.ge [sflag:s20], $0x2800  }
0x23: {  	[sflag:s20] =	ssyncset.done $0x0  }
0x24: {  	[sflag:s20] =	ssyncadd.s32 $0xFFFFD800  }
0x25: {  	[bflag:$0x0] =	sbarrier.arrive $0xFFFF  }
0x26: {  	[tilespmem:s4], [sflag:$0x9] =	stream.linear.gather [hbm4b:s6+s4], $0x50, $0x38;
	[tilespmem:$0x1E800] =	vst v63  }
0x27: {  	s5 =	simm.s32 $0x400;
	s10 =	rddreg [dreg:$0x6]  }
0x28: {  	[tilespmem:s5], [sflag:$0xE] =	stream.linear.gather [hbm4b:s10+s4], $0x50, $0x38;
	[tilespmem:$0x1E800] =	vst v63  }
0x29: {  	s17 =	rddreg [dreg:$0x7]  }
0x2a: {  	[tilespmem:s22], [sflag:$0xA] =	stream.linear.gather [hbm4b:s17+s4], $0x50, $0x38;
	[tilespmem:$0x1E800] =	vst v63  }
0x2b: {  	s23 =	simm.s32 $0x480;
	s18 =	rddreg [dreg:$0x8]  }
0x2c: {  	[tilespmem:s23], [sflag:$0xF] =	stream.linear.gather [hbm4b:s18+s4], $0x50, $0x38;
	[tilespmem:$0x1E800] =	vst v63  }
0x2d: {  	_ = 	snop  }
0x2e: {  	[tilespmem:s24], [sflag:$0xB] =	stream.linear.gather [hbm4b:s11+s4], $0x50, $0x38;
	[tilespmem:$0x1E800] =	vst v63  }
0x2f: {  	s8 =	simm.s32 $0x500  }
0x30: {  	[tilespmem:s8], [sflag:$0x10] =	stream.linear.gather [hbm4b:s12+s4], $0x50, $0x38;
	[tilespmem:$0x1E800] =	vst v63  }
0x31: {  	s9 =	simm.s32 $0x180  }
0x32: {  	[tilespmem:s9], [sflag:$0xC] =	stream.linear.gather [hbm4b:s13+s4], $0x50, $0x38;
	[tilespmem:$0x1E800] =	vst v63  }
0x33: {  	s10 =	simm.s32 $0x580  }
0x34: {  	[tilespmem:s10], [sflag:$0x11] =	stream.linear.gather [hbm4b:s14+s4], $0x50, $0x38;
	[tilespmem:$0x1E800] =	vst v63  }
0x35: {  	_ =	swait.ge [sflag:s29], $0x50  }
0x36: {  	[sflag:s29] =	ssyncset.done $0x0  }
0x37: {  	s17 =	simm.s32 $0x800;
	[sflag:s29] =	ssyncadd.s32 $0xFFFFFFB0  }
0x38: {  	[tilespmem:s17], [sflag:$0x1] =	stream.indirect.gather [hbm4b:s1+s30], $0x80, s4, s30, $0xb8;
	[tilespmem:$0x1E800] =	vst v63  }
0x39: {  	_ =	swait.ge [sflag:s0], $0x50  }
0x3a: {  	[sflag:s0] =	ssyncset.done $0x0  }
0x3b: {  	s18 =	simm.s32 $0x3000;
	[sflag:s0] =	ssyncadd.s32 $0xFFFFFFB0  }
0x3c: {  	[tilespmem:s18], [sflag:$0x2] =	stream.indirect.gather [hbm4b:s1+s30], $0x80, s22, s30, $0xb8;
	[tilespmem:$0x1E800] =	vst v63  }
.Ltmp2:
0x3d: {  	_ = 	snop;
	(pc) =	sbr.rel .LBB2_2-.Ltmp2, $4  }
0x3e: {  	_ =	swait.ge [sflag:s21], $0x50  }
0x3f: {  	s3 =	simm.s32 $0x0;
	s23 =	simm.s32 $0x5800;
	[sflag:s21] =	ssyncset.done $0x0  }
0x40: {  	s17 =	smov.u32 s31;
	s18 =	smov.u32 s28;
	[sflag:s21] =	ssyncadd.s32 $0xFFFFFFB0  }
0x41: {  	[tilespmem:s23], [sflag:$0x3] =	stream.indirect.gather [hbm4b:s1+s30], $0x80, s24, s30, $0xb8;
	[tilespmem:$0x1E800] =	vst v63  }
.LBB2_3:
0x42: {  	s8 =	sadd.s32 $0x334, s23  }
0x43: {  	s8 =	sshrl.u32 s8, $0xA  }
0x44: {  	s8 =	sand.u32 $0x3F, s8  }
0x45: {  	s8 =	smul.u32 $0x5, s8;
	_ =	sdelay $0x1  }
0x46: {  	s8 =	ssub.s32 s3, s8  }
0x47: {  	s8 =	sadd.s32 $0x4, s8  }
0x48: {  	s8 =	sand.u32 $0xFF, s8  }
0x49: {  	s23 =	sadd.s32 $0x267, s23;
	s9 =	sshll.u32 s8, $0x7;
	s10 =	sadd.s32 $0x9, s8  }
0x4a: {  	[tilespmem:s9], [sflag:s10] =	stream.linear.gather [hbm4b:s18+s4], $0x50, $0x38;
	[tilespmem:$0x1E800] =	vst v63  }
0x4b: {  	s10 =	sshrl.u32 s23, $0xA  }
0x4c: {  	s10 =	sand.u32 $0x3F, s10  }
0x4d: {  	s8 =	sadd.s32 $0xE, s8;
	s9 =	sor.u32 $0x400, s9;
	s10 =	smul.u32 $0x5, s10  }
0x4e: {  	[tilespmem:s9], [sflag:s8] =	stream.linear.gather [hbm4b:s17+s4], $0x50, $0x38;
	[tilespmem:$0x1E800] =	vst v63  }
0x4f: {  	s23 =	ssub.s32 s3, s10  }
0x50: {  	s8 =	sadd.s32 $0x3, s23  }
0x51: {  	s5 =	simm.s32 @p0 $0x3;
	s23 =	sand.u32 $0xFF, s8  }
.LBB2_6:
0x52: {  	s8 =	sadd.s32 $0x9, s23;
	s9 =	smul.u32 $0xA000, s5  }
0x53: {  	_ =	swait.ge [sflag:s8], $0x50  }
0x54: {  	s10 =	sshll.u32 s23, $0x7;
	[sflag:s8] =	ssyncset.done $0x0;
	s9 =	sshrl.u32 s9, $0x2  }
0x55: {  	s23 =	sadd.s32 $0x1, s5;
	[sflag:s8] =	ssyncadd.s32 $0xFFFFFFB0;
	s9 =	sadd.s32 $0x800, s9  }
0x56: {  	[tilespmem:s9], [sflag:s23] =	stream.indirect.gather [hbm4b:s1+s30], $0x80, s10, s30, $0xb8;
	[tilespmem:$0x1E800] =	vst v63  }
.LBB2_7:
0x57: {  	s3 =	sadd.s32 $0x1, s3  }
0x58: {  	p0 =	sne.s32 s3, $0x7D  }
.Ltmp3:
0x59: {  	_ = 	snop;
	(pc) =	sbr.rel @!p0 .LBB2_8-.Ltmp3, $2  }
0x5a: {  	_ =	sdelay $0x2  }
0x5b: {  	s17 =	sadd.s32 $0xA, s17;
	s18 =	sadd.s32 $0xA, s18  }
.LBB2_2:
0x5c: {  	s23 =	smul.u32 $0xCD, s3;
	_ =	sdelay $0x1  }
0x5d: {  	s5 =	sshrl.u32 s23, $0xA  }
0x5e: {  	s5 =	sand.u32 $0x3F, s5  }
0x5f: {  	s8 =	sand.u32 $0x3, s3;
	s5 =	smul.u32 $0x5, s5  }
0x60: {  	s9 =	sadd.s32 $0x1, s8  }
0x61: {  	_ =	swait.ge [sflag:s9], $0x2800;
	s5 =	ssub.s32 s3, s5  }
0x62: {  	p0 =	seq.s32 s3, $0x0;
	[sflag:s9] =	ssyncset.done $0x0;
	s5 =	sand.u32 $0xFF, s5  }
0x63: {  	s10 =	smul.u32 $0xA000, s8;
	[sflag:s9] =	ssyncadd.s32 $0xFFFFD800;
	s9 =	sadd.s32 $0xE, s5  }
0x64: {  	s8 =	sadd.s32 $0x5, s8;
	p1 =	sgt.u32 @!p0 s3, $0x78;
	_ =	swait.ge [sflag:s9], $0x50  }
0x65: {  	s10 =	sshrl.u32 s10, $0x2;
	s5 =	sshll.u32 s5, $0x7;
	[sflag:s9] =	ssyncset.done $0x0  }
0x66: {  	s10 =	sadd.s32 $0x800, s10;
	s5 =	sor.u32 $0x400, s5;
	[sflag:s9] =	ssyncadd.s32 $0xFFFFFFB0  }
0x67: {  	[spmem:s2] =	stream.indirect.scatter.add.f32 [tilespmem:s10], [sflag:s8], $0x80, s5, s30, $0xb8;
	[tilespmem:$0x1E800] =	vst v63  }
0x68: {  	p1 =	por p0, !p1;
	s5 =	sadd.s32 @!p0 $0xFFFFFFFF, s3  }
.Ltmp4:
0x69: {  	s5 =	sand.u32 @!p0 $0x3, s5;
	(pc) =	sbr.rel @p1 .LBB2_3-.Ltmp4, $4  }
0x6a: {  	s8 =	sadd.s32 @!p0 $0x5, s5  }
0x6b: {  	_ =	swait.ge @!p0 [sflag:s8], $0x2800  }
0x6c: {  	[sflag:s8] =	ssyncset.done @!p0 $0x0  }
0x6d: {  	[sflag:s8] =	ssyncadd.s32 @!p0 $0xFFFFD800  }
0x6e: {  	p0 =	sne.s32 s3, $0x79  }
.Ltmp5:
0x6f: {  	_ = 	snop;
	(pc) =	sbr.rel @p0 .LBB2_7-.Ltmp5, $1  }
0x70: {  	_ =	sdelay $0x3  }
.Ltmp6:
0x71: {  	(pc) =	sbr.rel .LBB2_6-.Ltmp6, $2  }
0x72: {  	_ =	sdelay $0x2  }
0x73: {  	s23 =	simm.s32 $0x4;
	s5 =	simm.s32 $0x0  }
.LBB2_9:
0x74: {  	_ =	sfence.sel $0x180000  }
0x75: {  	[bflag:$0x0] =	sbarrier.arrive $0xFFFF  }
0x76: {  	_ =	strace $0x90000047  }
0x77: {  	s0 =	stileid.u32;
	[bflag:$0x2] =	sbarrier.arrive $0xFFFF  }
0x78: {  	p0 =	sne.s32 s0, $0x0;
	s0 =	rddreg [dreg:$0x4]  }
0x79: {  	s0 =	sadd.s32 @!p0 $0x100000, s0  }
0x7a: {  	[sflag:s0] =	ssyncadd.tile.s32 @!p0 $0x1;
	_ =	shalt  }
.Lfunc_end2:
_tile_overlayer_lowered:
.L_overlay_start_2:
0x7b: {  	(tag) =	ssettag $0x2  }
0x7c: {  	s0 =	rddreg [dreg:$0x0];
	s2 =	stileid.u32  }
0x7d: {  	s1 =	rddreg [dreg:$0x1];
	p0 =	sne.s32 s2, $0x0  }
0x7e: {  	s3 =	rddreg [dreg:$0x2];
	[bflag:$0x3] =	sbarrier.arrive $0xFFFF;
	s2 =	simm.s32 @!p0 $0x1C13  }
0x7f: {  	[timem:s3], [sflag:s2] =	dma.local @!p0 [hbm:s0], s1  }
0x80: {  	s0 =	simm.s32 @!p0 $0x13  }
0x81: {  	_ =	swait.ge @!p0 [sflag:s0], s1  }
0x82: {  	s1 =	ssub.s32 @!p0 $0x0, s1;
	[sflag:s0] =	ssyncset.done @!p0 $0x0  }
0x83: {  	[sflag:s0] =	ssyncadd.s32 @!p0 s1  }
0x84: {  	[bflag:$0x3] =	sbarrier.arrive $0xFFFF  }
0x85: {  	_ =	shalt  }

</sc_bundles>
